<compile_context>
chip_gen: v7x
topology: tpu7x:2x2x1
jax: 0.10.2.dev20260603
libtpu: 0.0.44.dev20260713+nightly
codegen_flags: <defaults>
</compile_context>

<pallas_src>
import functools

import jax
import jax.numpy as jnp
from jax import lax
from jax.experimental import pallas as pl
from jax.experimental.pallas import tpu as pltpu
from jax.experimental.pallas import tpu_sc as plsc

_N = 10000
_E = 320000
_D = 128
_NW = 32
_EPW = _E // _NW
_K = 125
_NCH = _EPW // _K
_NP = 10240
_RPT = _NP // 16


def _seg_body(x_hbm, src_hbm, dst_hbm, zf_hbm, zc_hbm, ones_hbm,
              pf_hbm, pc_hbm,
              acc, cacc, dst_v, ones_v, i0, i1, i2, i3, b0, b1,
              si0, si1, si2, si3, s0, s1, ss0, ss1, cs0, cs1):
    cid = lax.axis_index("c")
    sid = lax.axis_index("s")
    wid = sid * 2 + cid
    ipair = ((i0, i1), (i2, i3))
    bufs = (b0, b1)
    ispair = ((si0, si1), (si2, si3))
    sems = (s0, s1)
    ssems = (ss0, ss1)
    csems = (cs0, cs1)

    pltpu.sync_copy(dst_hbm.at[wid], dst_v)
    pltpu.sync_copy(ones_hbm, ones_v)

    base = sid * _RPT
    pltpu.sync_copy(zf_hbm, acc.at[pl.ds(base, _RPT)])
    pltpu.sync_copy(zc_hbm, cacc.at[pl.ds(base, _RPT)])
    plsc.subcore_barrier()

    for b in range(2):
        pltpu.async_copy(src_hbm.at[wid].at[b], ipair[0][b], ispair[0][b])

    def group(g, carry):
        for half in range(2):
            c0 = g * 4 + half * 2
            hr = []
            for b in range(2):
                pltpu.make_async_copy(src_hbm.at[wid].at[0], ipair[half][b],
                                      ispair[half][b]).wait()
                hr.append(pltpu.async_copy(x_hbm.at[ipair[half][b]], bufs[b],
                                           sems[b]))
            nxt = 1 - half
            @pl.when(c0 + 2 < _NCH)
            def _():
                for b in range(2):
                    pltpu.async_copy(src_hbm.at[wid].at[c0 + 2 + b],
                                     ipair[nxt][b], ispair[nxt][b])
            hs = []
            for b in range(2):
                hr[b].wait()
                hs.append(pltpu.async_copy(bufs[b], acc.at[dst_v.at[c0 + b]],
                                           ssems[b], add=True))
                hs.append(pltpu.async_copy(ones_v, cacc.at[dst_v.at[c0 + b]],
                                           csems[b], add=True))
            for h in hs:
                h.wait()
        return carry

    lax.fori_loop(0, _NCH // 4, group, 0)
    plsc.subcore_barrier()

    pltpu.sync_copy(acc.at[pl.ds(base, _RPT)],
                    pf_hbm.at[cid].at[pl.ds(base, _RPT)])
    pltpu.sync_copy(cacc.at[pl.ds(base, _RPT)],
                    pc_hbm.at[cid].at[pl.ds(base, _RPT)])


@functools.cache
def _make_seg():
  return pl.kernel(
    _seg_body,
    out_type=(jax.ShapeDtypeStruct((2, _NP, _D), jnp.float32),
              jax.ShapeDtypeStruct((2, _NP), jnp.float32)),
    mesh=plsc.VectorSubcoreMesh(core_axis_name="c", subcore_axis_name="s"),
    scratch_types=[
        pltpu.VMEM_SHARED((_NP, _D), jnp.float32),
        pltpu.VMEM_SHARED((_NP,), jnp.float32),
        pltpu.VMEM((_NCH, _K), jnp.int32),
        pltpu.VMEM((_K,), jnp.float32),
        pltpu.VMEM((_K,), jnp.int32),
        pltpu.VMEM((_K,), jnp.int32),
        pltpu.VMEM((_K,), jnp.int32),
        pltpu.VMEM((_K,), jnp.int32),
        pltpu.VMEM((_K, _D), jnp.float32),
        pltpu.VMEM((_K, _D), jnp.float32),
        pltpu.SemaphoreType.DMA,
        pltpu.SemaphoreType.DMA,
        pltpu.SemaphoreType.DMA,
        pltpu.SemaphoreType.DMA,
        pltpu.SemaphoreType.DMA,
        pltpu.SemaphoreType.DMA,
        pltpu.SemaphoreType.DMA,
        pltpu.SemaphoreType.DMA,
        pltpu.SemaphoreType.DMA,
        pltpu.SemaphoreType.DMA,
    ],
  )


def _post_body(pf_ref, cnt_ref, x_ref, wl_ref, bl_ref, wr_ref, ws_ref,
               bs_ref, al_ref, out_ref):
    seg = pf_ref[0] + pf_ref[1]
    mean = seg / jnp.maximum(cnt_ref[...], 1.0)
    x = x_ref[...]
    pre = (jnp.dot(mean, wl_ref[...], preferred_element_type=jnp.float32)
           + bl_ref[...]
           + jnp.dot(x, wr_ref[...], preferred_element_type=jnp.float32))
    h = jnp.maximum(pre, 0.0) + x
    sc = jnp.dot(h, ws_ref[...], preferred_element_type=jnp.float32) + bs_ref[...]
    a = jax.nn.sigmoid(al_ref[...])
    out_ref[...] = (1.0 - a) * sc


_post = pl.pallas_call(
    _post_body,
    out_shape=jax.ShapeDtypeStruct((_N, 1), jnp.float32),
    grid=(1,),
    in_specs=[
        pl.BlockSpec((2, _N, _D), lambda i: (0, 0, 0)),
        pl.BlockSpec((_N, 1), lambda i: (0, 0)),
        pl.BlockSpec((_N, _D), lambda i: (0, 0)),
        pl.BlockSpec((_D, _D), lambda i: (0, 0)),
        pl.BlockSpec((1, _D), lambda i: (0, 0)),
        pl.BlockSpec((_D, _D), lambda i: (0, 0)),
        pl.BlockSpec((_D, 1), lambda i: (0, 0)),
        pl.BlockSpec((1, 1), lambda i: (0, 0)),
        pl.BlockSpec((1, 1), lambda i: (0, 0)),
    ],
    out_specs=pl.BlockSpec((_N, 1), lambda i: (0, 0)),
)


@jax.jit
def kernel(x, edge_index, reranker_scores, W_l, b_l, W_r, w_score, b_score,
           alpha):
    src = edge_index[0].reshape(_NW, _NCH, _K)
    dst = edge_index[1].reshape(_NW, _NCH, _K)
    zf = jnp.zeros((_RPT, _D), jnp.float32)
    zc = jnp.zeros((_RPT,), jnp.float32)
    ones1 = jnp.ones((_K,), jnp.float32)
    pf, pcnt = _make_seg()(x, src, dst, zf, zc, ones1)
    cnt = (pcnt[0, :_N] + pcnt[1, :_N]).reshape(_N, 1)
    gnn = _post(pf, cnt, x, W_l, b_l.reshape(1, _D), W_r, w_score,
                b_score.reshape(1, 1), alpha.reshape(1, 1))
    return jax.nn.sigmoid(alpha) * reranker_scores + gnn[:, 0]

# --- scband reference (transcript-rebuilt; emitter-appended) ---
"""Pipeline reference for scband-multi-task-reranker-48885317763309 (READ-ONLY COPY).

The authoritative reference and input builder live on the scoring server;
editing this copy changes nothing except your own understanding.
"""

import jax, jax.numpy as jnp
import numpy as np

N = 10000
E = 320000
D = 128
H = 128


def setup_inputs(seed: int = 0) -> dict:
    key = jax.random.key(seed)
    ks = jax.random.split(key, 9)
    x = jax.random.normal(ks[0], (N, D), dtype=jnp.float32)
    edge_index = jax.random.randint(ks[1], (2, E), 0, N, dtype=jnp.int32)
    reranker_scores = jax.random.normal(ks[2], (N,), dtype=jnp.float32)
    # SAGEConv params: lin_l applies to aggregated neighbor features (with bias),
    # lin_r applies to root features (no bias) -- PyG convention.
    s = 1.0 / np.sqrt(D)
    W_l = jax.random.uniform(ks[3], (D, H), dtype=jnp.float32, minval=-s, maxval=s)
    b_l = jax.random.uniform(ks[4], (H,), dtype=jnp.float32, minval=-s, maxval=s)
    W_r = jax.random.uniform(ks[5], (D, H), dtype=jnp.float32, minval=-s, maxval=s)
    sh = 1.0 / np.sqrt(H)
    w_score = jax.random.uniform(ks[6], (H, 1), dtype=jnp.float32, minval=-sh, maxval=sh)
    b_score = jax.random.uniform(ks[7], (1,), dtype=jnp.float32, minval=-sh, maxval=sh)
    alpha = jnp.asarray(0.65, dtype=jnp.float32)
    return {"x": x, "edge_index": edge_index, "reranker_scores": reranker_scores,
            "W_l": W_l, "b_l": b_l, "W_r": W_r,
            "w_score": w_score, "b_score": b_score, "alpha": alpha}


def _sage_conv(x, edge_index, W_l, b_l, W_r):
    src = edge_index[0]
    dst = edge_index[1]
    msg = jnp.take(x, src, axis=0)                       # gather source features
    agg = jax.ops.segment_sum(msg, dst, num_segments=N)  # scatter-add by dst
    cnt = jax.ops.segment_sum(jnp.ones((E,), x.dtype), dst, num_segments=N)
    mean = agg / jnp.clip(cnt, 1.0)[:, None]             # mean aggregation
    return mean @ W_l + b_l + x @ W_r


def reference(x, edge_index, reranker_scores, W_l, b_l, W_r, w_score, b_score, alpha):
    h_in = x  # input_dim == hidden_dim -> residual_proj is None
    h = jax.nn.relu(_sage_conv(x, edge_index, W_l, b_l, W_r))
    # dropout is identity in eval mode
    h = h + h_in
    gnn_scores = (h @ w_score + b_score)[:, 0]
    a = jax.nn.sigmoid(alpha)
    final_scores = a * reranker_scores + (1.0 - a) * gnn_scores
    return final_scores

if __name__ == "__main__":
    import jax
    _d = setup_inputs()
    print(jax.jit(kernel)(*tuple(_d.values())))

</pallas_src>

<mosaic_0001>
#map = affine_map<(d0, d1) -> (0, 0)>
#map1 = affine_map<(d0, d1) -> (0, 0, 0)>
#map2 = affine_map<(d0, d1) -> (0)>
module attributes {stable_mosaic.version = 14 : i64} {
  func.func @_seg_body(%arg0: i32, %arg1: i32, %arg2: memref<10000x128xf32, #tpu.memory_space<hbm>>, %arg3: memref<32x80x125xi32, #tpu.memory_space<hbm>>, %arg4: memref<32x80x125xi32, #tpu.memory_space<hbm>>, %arg5: memref<640x128xf32, #tpu.memory_space<hbm>>, %arg6: memref<640xf32, #tpu.memory_space<hbm>>, %arg7: memref<125xf32, #tpu.memory_space<hbm>>, %arg8: memref<2x10240x128xf32, #tpu.memory_space<hbm>>, %arg9: memref<2x10240xf32, #tpu.memory_space<hbm>>, %arg10: memref<10240x128xf32, #tpu.memory_space<vmem_shared>>, %arg11: memref<10240xf32, #tpu.memory_space<vmem_shared>>, %arg12: memref<80x125xi32, #tpu.memory_space<vmem>>, %arg13: memref<125xf32, #tpu.memory_space<vmem>>, %arg14: memref<125xi32, #tpu.memory_space<vmem>>, %arg15: memref<125xi32, #tpu.memory_space<vmem>>, %arg16: memref<125xi32, #tpu.memory_space<vmem>>, %arg17: memref<125xi32, #tpu.memory_space<vmem>>, %arg18: memref<125x128xf32, #tpu.memory_space<vmem>>, %arg19: memref<125x128xf32, #tpu.memory_space<vmem>>, %arg20: memref<!tpu.dma_semaphore, #tpu.memory_space<semaphore_mem>>, %arg21: memref<!tpu.dma_semaphore, #tpu.memory_space<semaphore_mem>>, %arg22: memref<!tpu.dma_semaphore, #tpu.memory_space<semaphore_mem>>, %arg23: memref<!tpu.dma_semaphore, #tpu.memory_space<semaphore_mem>>, %arg24: memref<!tpu.dma_semaphore, #tpu.memory_space<semaphore_mem>>, %arg25: memref<!tpu.dma_semaphore, #tpu.memory_space<semaphore_mem>>, %arg26: memref<!tpu.dma_semaphore, #tpu.memory_space<semaphore_mem>>, %arg27: memref<!tpu.dma_semaphore, #tpu.memory_space<semaphore_mem>>, %arg28: memref<!tpu.dma_semaphore, #tpu.memory_space<semaphore_mem>>, %arg29: memref<!tpu.dma_semaphore, #tpu.memory_space<semaphore_mem>>) attributes {dimension_semantics = [#tpu.dimension_semantics<core_parallel>, #tpu.dimension_semantics<subcore_parallel>], iteration_bounds = array<i64: 2, 16>, scalar_prefetch = 0 : i64, scratch_operands = 20 : i64, tpu.core_type = #tpu.core_type<sc_vector_subcore>, window_params = [{transform_indices = #map}, {transform_indices = #map1}, {transform_indices = #map1}, {transform_indices = #map}, {transform_indices = #map2}, {transform_indices = #map2}, {transform_indices = #map1}, {transform_indices = #map}]} {
    %mul3A = arith.constant 2 : i32
    %mul3A_0 = arith.muli %arg1, %mul3A : i32
    %add3A = arith.addi %mul3A_0, %arg0 : i32
    "tpu.region"() ({
      %run_scoped3A = tpu.sem_alloc : memref<!tpu.dma_semaphore, #tpu.memory_space<semaphore_mem>>
      %dma_start3A_38 = arith.constant 0 : i32
      %dma_start3A_39 = arith.constant 0 : i32
      %dma_start3A_40 = tpu.memref_slice %arg4[%add3A, %dma_start3A_38, %dma_start3A_39] : memref<32x80x125xi32, #tpu.memory_space<hbm>> -> memref<1x80x125xi32, #tpu.memory_space<hbm>>
      %dma_start3A_41 = tpu.memref_squeeze %dma_start3A_40 : memref<1x80x125xi32, #tpu.memory_space<hbm>> -> memref<80x125xi32, #tpu.memory_space<hbm>>
      %dma_start3A_42 = arith.constant 0 : i32
      %dma_start3A_43 = arith.constant 0 : i32
      %dma_start3A_44 = tpu.memref_slice %arg4[%add3A, %dma_start3A_42, %dma_start3A_43] : memref<32x80x125xi32, #tpu.memory_space<hbm>> -> memref<1x80x125xi32, #tpu.memory_space<hbm>>
      %dma_start3A_45 = tpu.memref_squeeze %dma_start3A_44 : memref<1x80x125xi32, #tpu.memory_space<hbm>> -> memref<80x125xi32, #tpu.memory_space<hbm>>
      tpu.enqueue_dma source(%dma_start3A_45 : memref<80x125xi32, #tpu.memory_space<hbm>>) target(%arg12 : memref<80x125xi32, #tpu.memory_space<vmem>>) target_semaphore(%run_scoped3A : memref<!tpu.dma_semaphore, #tpu.memory_space<semaphore_mem>>)
      %dma_wait3A = arith.constant 0 : i32
      %dma_wait3A_46 = arith.constant 0 : i32
      %dma_wait3A_47 = tpu.memref_slice %arg4[%add3A, %dma_wait3A, %dma_wait3A_46] : memref<32x80x125xi32, #tpu.memory_space<hbm>> -> memref<1x80x125xi32, #tpu.memory_space<hbm>>
      %dma_wait3A_48 = tpu.memref_squeeze %dma_wait3A_47 : memref<1x80x125xi32, #tpu.memory_space<hbm>> -> memref<80x125xi32, #tpu.memory_space<hbm>>
      %dma_wait3A_49 = arith.constant 0 : i32
      %dma_wait3A_50 = arith.constant 0 : i32
      %dma_wait3A_51 = tpu.memref_slice %arg4[%add3A, %dma_wait3A_49, %dma_wait3A_50] : memref<32x80x125xi32, #tpu.memory_space<hbm>> -> memref<1x80x125xi32, #tpu.memory_space<hbm>>
      %dma_wait3A_52 = tpu.memref_squeeze %dma_wait3A_51 : memref<1x80x125xi32, #tpu.memory_space<hbm>> -> memref<80x125xi32, #tpu.memory_space<hbm>>
      tpu.wait_dma2 semaphore(%run_scoped3A : memref<!tpu.dma_semaphore, #tpu.memory_space<semaphore_mem>>) src(%dma_wait3A_52 : memref<80x125xi32, #tpu.memory_space<hbm>>) dst(%arg12 : memref<80x125xi32, #tpu.memory_space<vmem>>)
      tpu.yield
    }) : () -> ()
    "tpu.region"() ({
      %run_scoped3A = tpu.sem_alloc : memref<!tpu.dma_semaphore, #tpu.memory_space<semaphore_mem>>
      tpu.enqueue_dma source(%arg7 : memref<125xf32, #tpu.memory_space<hbm>>) target(%arg13 : memref<125xf32, #tpu.memory_space<vmem>>) target_semaphore(%run_scoped3A : memref<!tpu.dma_semaphore, #tpu.memory_space<semaphore_mem>>)
      tpu.wait_dma2 semaphore(%run_scoped3A : memref<!tpu.dma_semaphore, #tpu.memory_space<semaphore_mem>>) src(%arg7 : memref<125xf32, #tpu.memory_space<hbm>>) dst(%arg13 : memref<125xf32, #tpu.memory_space<vmem>>)
      tpu.yield
    }) : () -> ()
    %mul3A_1 = arith.constant 640 : i32
    %mul3A_2 = arith.muli %arg1, %mul3A_1 : i32
    "tpu.region"() ({
      %run_scoped3A = tpu.sem_alloc : memref<!tpu.dma_semaphore, #tpu.memory_space<semaphore_mem>>
      %dma_start3A_38 = arith.constant 0 : i32
      %dma_start3A_39 = tpu.memref_slice %arg10[%mul3A_2, %dma_start3A_38] : memref<10240x128xf32, #tpu.memory_space<vmem_shared>> -> memref<640x128xf32, #tpu.memory_space<vmem_shared>>
      tpu.enqueue_dma source(%arg5 : memref<640x128xf32, #tpu.memory_space<hbm>>) target(%dma_start3A_39 : memref<640x128xf32, #tpu.memory_space<vmem_shared>>) target_semaphore(%run_scoped3A : memref<!tpu.dma_semaphore, #tpu.memory_space<semaphore_mem>>)
      %dma_wait3A = arith.constant 0 : i32
      %dma_wait3A_40 = tpu.memref_slice %arg10[%mul3A_2, %dma_wait3A] : memref<10240x128xf32, #tpu.memory_space<vmem_shared>> -> memref<640x128xf32, #tpu.memory_space<vmem_shared>>
      tpu.wait_dma2 semaphore(%run_scoped3A : memref<!tpu.dma_semaphore, #tpu.memory_space<semaphore_mem>>) src(%arg5 : memref<640x128xf32, #tpu.memory_space<hbm>>) dst(%dma_wait3A_40 : memref<640x128xf32, #tpu.memory_space<vmem_shared>>)
      tpu.yield
    }) : () -> ()
    "tpu.region"() ({
      %run_scoped3A = tpu.sem_alloc : memref<!tpu.dma_semaphore, #tpu.memory_space<semaphore_mem>>
      %dma_start3A_38 = tpu.memref_slice %arg11[%mul3A_2] : memref<10240xf32, #tpu.memory_space<vmem_shared>> -> memref<640xf32, #tpu.memory_space<vmem_shared>>
      tpu.enqueue_dma source(%arg6 : memref<640xf32, #tpu.memory_space<hbm>>) target(%dma_start3A_38 : memref<640xf32, #tpu.memory_space<vmem_shared>>) target_semaphore(%run_scoped3A : memref<!tpu.dma_semaphore, #tpu.memory_space<semaphore_mem>>)
      %dma_wait3A = tpu.memref_slice %arg11[%mul3A_2] : memref<10240xf32, #tpu.memory_space<vmem_shared>> -> memref<640xf32, #tpu.memory_space<vmem_shared>>
      tpu.wait_dma2 semaphore(%run_scoped3A : memref<!tpu.dma_semaphore, #tpu.memory_space<semaphore_mem>>) src(%arg6 : memref<640xf32, #tpu.memory_space<hbm>>) dst(%dma_wait3A : memref<640xf32, #tpu.memory_space<vmem_shared>>)
      tpu.yield
    }) : () -> ()
    %barrier3A = arith.constant 0 : index
    tpu.barrier barrier_id(%barrier3A)
    %dma_start3A = arith.constant 0 : i32
    %dma_start3A_3 = arith.constant 0 : i32
    %dma_start3A_4 = arith.constant 0 : i32
    %dma_start3A_5 = tpu.memref_slice %arg3[%add3A, %dma_start3A_3, %dma_start3A_4] : memref<32x80x125xi32, #tpu.memory_space<hbm>> -> memref<1x80x125xi32, #tpu.memory_space<hbm>>
    %dma_start3A_6 = tpu.memref_squeeze %dma_start3A_5 : memref<1x80x125xi32, #tpu.memory_space<hbm>> -> memref<80x125xi32, #tpu.memory_space<hbm>>
    %dma_start3A_7 = arith.constant 0 : i32
    %dma_start3A_8 = tpu.memref_slice %dma_start3A_6[%dma_start3A, %dma_start3A_7] : memref<80x125xi32, #tpu.memory_space<hbm>> -> memref<1x125xi32, #tpu.memory_space<hbm>>
    %dma_start3A_9 = tpu.memref_squeeze %dma_start3A_8 : memref<1x125xi32, #tpu.memory_space<hbm>> -> memref<125xi32, #tpu.memory_space<hbm>>
    %dma_start3A_10 = arith.constant 0 : i32
    %dma_start3A_11 = arith.constant 0 : i32
    %dma_start3A_12 = tpu.memref_slice %arg3[%add3A, %dma_start3A_10, %dma_start3A_11] : memref<32x80x125xi32, #tpu.memory_space<hbm>> -> memref<1x80x125xi32, #tpu.memory_space<hbm>>
    %dma_start3A_13 = tpu.memref_squeeze %dma_start3A_12 : memref<1x80x125xi32, #tpu.memory_space<hbm>> -> memref<80x125xi32, #tpu.memory_space<hbm>>
    %dma_start3A_14 = arith.constant 0 : i32
    %dma_start3A_15 = tpu.memref_slice %dma_start3A_13[%dma_start3A, %dma_start3A_14] : memref<80x125xi32, #tpu.memory_space<hbm>> -> memref<1x125xi32, #tpu.memory_space<hbm>>
    %dma_start3A_16 = tpu.memref_squeeze %dma_start3A_15 : memref<1x125xi32, #tpu.memory_space<hbm>> -> memref<125xi32, #tpu.memory_space<hbm>>
    tpu.enqueue_dma source(%dma_start3A_16 : memref<125xi32, #tpu.memory_space<hbm>>) target(%arg14 : memref<125xi32, #tpu.memory_space<vmem>>) target_semaphore(%arg20 : memref<!tpu.dma_semaphore, #tpu.memory_space<semaphore_mem>>)
    %dma_start3A_17 = arith.constant 1 : i32
    %dma_start3A_18 = arith.constant 0 : i32
    %dma_start3A_19 = arith.constant 0 : i32
    %dma_start3A_20 = tpu.memref_slice %arg3[%add3A, %dma_start3A_18, %dma_start3A_19] : memref<32x80x125xi32, #tpu.memory_space<hbm>> -> memref<1x80x125xi32, #tpu.memory_space<hbm>>
    %dma_start3A_21 = tpu.memref_squeeze %dma_start3A_20 : memref<1x80x125xi32, #tpu.memory_space<hbm>> -> memref<80x125xi32, #tpu.memory_space<hbm>>
    %dma_start3A_22 = arith.constant 0 : i32
    %dma_start3A_23 = tpu.memref_slice %dma_start3A_21[%dma_start3A_17, %dma_start3A_22] : memref<80x125xi32, #tpu.memory_space<hbm>> -> memref<1x125xi32, #tpu.memory_space<hbm>>
    %dma_start3A_24 = tpu.memref_squeeze %dma_start3A_23 : memref<1x125xi32, #tpu.memory_space<hbm>> -> memref<125xi32, #tpu.memory_space<hbm>>
    %dma_start3A_25 = arith.constant 0 : i32
    %dma_start3A_26 = arith.constant 0 : i32
    %dma_start3A_27 = tpu.memref_slice %arg3[%add3A, %dma_start3A_25, %dma_start3A_26] : memref<32x80x125xi32, #tpu.memory_space<hbm>> -> memref<1x80x125xi32, #tpu.memory_space<hbm>>
    %dma_start3A_28 = tpu.memref_squeeze %dma_start3A_27 : memref<1x80x125xi32, #tpu.memory_space<hbm>> -> memref<80x125xi32, #tpu.memory_space<hbm>>
    %dma_start3A_29 = arith.constant 0 : i32
    %dma_start3A_30 = tpu.memref_slice %dma_start3A_28[%dma_start3A_17, %dma_start3A_29] : memref<80x125xi32, #tpu.memory_space<hbm>> -> memref<1x125xi32, #tpu.memory_space<hbm>>
    %dma_start3A_31 = tpu.memref_squeeze %dma_start3A_30 : memref<1x125xi32, #tpu.memory_space<hbm>> -> memref<125xi32, #tpu.memory_space<hbm>>
    tpu.enqueue_dma source(%dma_start3A_31 : memref<125xi32, #tpu.memory_space<hbm>>) target(%arg15 : memref<125xi32, #tpu.memory_space<vmem>>) target_semaphore(%arg21 : memref<!tpu.dma_semaphore, #tpu.memory_space<semaphore_mem>>)
    %scan3A = arith.constant 0 : i32
    %scan3A_32 = arith.constant 0 : i32
    %scan3A_33 = arith.constant 20 : i32
    %scan3A_34 = arith.addi %scan3A_32, %scan3A_33 : i32
    %scan3A_35 = arith.constant 1 : i32
    scf.for %scan3A_38 = %scan3A_32 to %scan3A_34 step %scan3A_35  : i32 {
      %mul3A_39 = arith.constant 4 : i32
      %mul3A_40 = arith.muli %scan3A_38, %mul3A_39 : i32
      %add3A_41 = arith.constant 0 : i32
      %add3A_42 = arith.addi %mul3A_40, %add3A_41 : i32
      %dma_wait3A = arith.constant 0 : i32
      %dma_wait3A_43 = arith.constant 0 : i32
      %dma_wait3A_44 = arith.constant 0 : i32
      %dma_wait3A_45 = tpu.memref_slice %arg3[%add3A, %dma_wait3A_43, %dma_wait3A_44] : memref<32x80x125xi32, #tpu.memory_space<hbm>> -> memref<1x80x125xi32, #tpu.memory_space<hbm>>
      %dma_wait3A_46 = tpu.memref_squeeze %dma_wait3A_45 : memref<1x80x125xi32, #tpu.memory_space<hbm>> -> memref<80x125xi32, #tpu.memory_space<hbm>>
      %dma_wait3A_47 = arith.constant 0 : i32
      %dma_wait3A_48 = tpu.memref_slice %dma_wait3A_46[%dma_wait3A, %dma_wait3A_47] : memref<80x125xi32, #tpu.memory_space<hbm>> -> memref<1x125xi32, #tpu.memory_space<hbm>>
      %dma_wait3A_49 = tpu.memref_squeeze %dma_wait3A_48 : memref<1x125xi32, #tpu.memory_space<hbm>> -> memref<125xi32, #tpu.memory_space<hbm>>
      %dma_wait3A_50 = arith.constant 0 : i32
      %dma_wait3A_51 = arith.constant 0 : i32
      %dma_wait3A_52 = tpu.memref_slice %arg3[%add3A, %dma_wait3A_50, %dma_wait3A_51] : memref<32x80x125xi32, #tpu.memory_space<hbm>> -> memref<1x80x125xi32, #tpu.memory_space<hbm>>
      %dma_wait3A_53 = tpu.memref_squeeze %dma_wait3A_52 : memref<1x80x125xi32, #tpu.memory_space<hbm>> -> memref<80x125xi32, #tpu.memory_space<hbm>>
      %dma_wait3A_54 = arith.constant 0 : i32
      %dma_wait3A_55 = tpu.memref_slice %dma_wait3A_53[%dma_wait3A, %dma_wait3A_54] : memref<80x125xi32, #tpu.memory_space<hbm>> -> memref<1x125xi32, #tpu.memory_space<hbm>>
      %dma_wait3A_56 = tpu.memref_squeeze %dma_wait3A_55 : memref<1x125xi32, #tpu.memory_space<hbm>> -> memref<125xi32, #tpu.memory_space<hbm>>
      tpu.wait_dma2 semaphore(%arg20 : memref<!tpu.dma_semaphore, #tpu.memory_space<semaphore_mem>>) src(%dma_wait3A_56 : memref<125xi32, #tpu.memory_space<hbm>>) dst(%arg14 : memref<125xi32, #tpu.memory_space<vmem>>)
      %dma_start3A_57 = arith.constant 0 : i32
      %dma_start3A_58 = arith.constant 0 : i32
      %dma_start3A_59 = tpu.memref_slice %arg2[%dma_start3A_57, %dma_start3A_58] : memref<10000x128xf32, #tpu.memory_space<hbm>> -> memref<10000x128xf32, #tpu.memory_space<hbm>>
      tpu.enqueue_indirect_dma source(%dma_start3A_59 : memref<10000x128xf32, #tpu.memory_space<hbm>>) target(%arg18 : memref<125x128xf32, #tpu.memory_space<vmem>>) offsets(%arg14 : memref<125xi32, #tpu.memory_space<vmem>>) semaphore(%arg24 : memref<!tpu.dma_semaphore, #tpu.memory_space<semaphore_mem>>)
      %dma_wait3A_60 = arith.constant 0 : i32
      %dma_wait3A_61 = arith.constant 0 : i32
      %dma_wait3A_62 = arith.constant 0 : i32
      %dma_wait3A_63 = tpu.memref_slice %arg3[%add3A, %dma_wait3A_61, %dma_wait3A_62] : memref<32x80x125xi32, #tpu.memory_space<hbm>> -> memref<1x80x125xi32, #tpu.memory_space<hbm>>
      %dma_wait3A_64 = tpu.memref_squeeze %dma_wait3A_63 : memref<1x80x125xi32, #tpu.memory_space<hbm>> -> memref<80x125xi32, #tpu.memory_space<hbm>>
      %dma_wait3A_65 = arith.constant 0 : i32
      %dma_wait3A_66 = tpu.memref_slice %dma_wait3A_64[%dma_wait3A_60, %dma_wait3A_65] : memref<80x125xi32, #tpu.memory_space<hbm>> -> memref<1x125xi32, #tpu.memory_space<hbm>>
      %dma_wait3A_67 = tpu.memref_squeeze %dma_wait3A_66 : memref<1x125xi32, #tpu.memory_space<hbm>> -> memref<125xi32, #tpu.memory_space<hbm>>
      %dma_wait3A_68 = arith.constant 0 : i32
      %dma_wait3A_69 = arith.constant 0 : i32
      %dma_wait3A_70 = tpu.memref_slice %arg3[%add3A, %dma_wait3A_68, %dma_wait3A_69] : memref<32x80x125xi32, #tpu.memory_space<hbm>> -> memref<1x80x125xi32, #tpu.memory_space<hbm>>
      %dma_wait3A_71 = tpu.memref_squeeze %dma_wait3A_70 : memref<1x80x125xi32, #tpu.memory_space<hbm>> -> memref<80x125xi32, #tpu.memory_space<hbm>>
      %dma_wait3A_72 = arith.constant 0 : i32
      %dma_wait3A_73 = tpu.memref_slice %dma_wait3A_71[%dma_wait3A_60, %dma_wait3A_72] : memref<80x125xi32, #tpu.memory_space<hbm>> -> memref<1x125xi32, #tpu.memory_space<hbm>>
      %dma_wait3A_74 = tpu.memref_squeeze %dma_wait3A_73 : memref<1x125xi32, #tpu.memory_space<hbm>> -> memref<125xi32, #tpu.memory_space<hbm>>
      tpu.wait_dma2 semaphore(%arg21 : memref<!tpu.dma_semaphore, #tpu.memory_space<semaphore_mem>>) src(%dma_wait3A_74 : memref<125xi32, #tpu.memory_space<hbm>>) dst(%arg15 : memref<125xi32, #tpu.memory_space<vmem>>)
      %dma_start3A_75 = arith.constant 0 : i32
      %dma_start3A_76 = arith.constant 0 : i32
      %dma_start3A_77 = tpu.memref_slice %arg2[%dma_start3A_75, %dma_start3A_76] : memref<10000x128xf32, #tpu.memory_space<hbm>> -> memref<10000x128xf32, #tpu.memory_space<hbm>>
      tpu.enqueue_indirect_dma source(%dma_start3A_77 : memref<10000x128xf32, #tpu.memory_space<hbm>>) target(%arg19 : memref<125x128xf32, #tpu.memory_space<vmem>>) offsets(%arg15 : memref<125xi32, #tpu.memory_space<vmem>>) semaphore(%arg25 : memref<!tpu.dma_semaphore, #tpu.memory_space<semaphore_mem>>)
      %add3A_78 = arith.constant 2 : i32
      %add3A_79 = arith.addi %add3A_42, %add3A_78 : i32
      %lt3A = arith.constant 80 : i32
      %lt3A_80 = arith.cmpi slt, %add3A_79, %lt3A : i32
      %convert_element_type3A = arith.extui %lt3A_80 : i1 to i32
      %cond3A = arith.constant 0 : i32
      %cond3A_81 = arith.cmpi ne, %convert_element_type3A, %cond3A : i32
      scf.if %cond3A_81 {
        %add3A_245 = arith.constant 2 : i32
        %add3A_246 = arith.addi %add3A_42, %add3A_245 : i32
        %add3A_247 = arith.constant 0 : i32
        %add3A_248 = arith.addi %add3A_246, %add3A_247 : i32
        %dma_start3A_249 = arith.constant 0 : i32
        %dma_start3A_250 = arith.constant 0 : i32
        %dma_start3A_251 = tpu.memref_slice %arg3[%add3A, %dma_start3A_249, %dma_start3A_250] : memref<32x80x125xi32, #tpu.memory_space<hbm>> -> memref<1x80x125xi32, #tpu.memory_space<hbm>>
        %dma_start3A_252 = tpu.memref_squeeze %dma_start3A_251 : memref<1x80x125xi32, #tpu.memory_space<hbm>> -> memref<80x125xi32, #tpu.memory_space<hbm>>
        %dma_start3A_253 = arith.constant 0 : i32
        %dma_start3A_254 = tpu.memref_slice %dma_start3A_252[%add3A_248, %dma_start3A_253] : memref<80x125xi32, #tpu.memory_space<hbm>> -> memref<1x125xi32, #tpu.memory_space<hbm>>
        %dma_start3A_255 = tpu.memref_squeeze %dma_start3A_254 : memref<1x125xi32, #tpu.memory_space<hbm>> -> memref<125xi32, #tpu.memory_space<hbm>>
        %dma_start3A_256 = arith.constant 0 : i32
        %dma_start3A_257 = arith.constant 0 : i32
        %dma_start3A_258 = tpu.memref_slice %arg3[%add3A, %dma_start3A_256, %dma_start3A_257] : memref<32x80x125xi32, #tpu.memory_space<hbm>> -> memref<1x80x125xi32, #tpu.memory_space<hbm>>
        %dma_start3A_259 = tpu.memref_squeeze %dma_start3A_258 : memref<1x80x125xi32, #tpu.memory_space<hbm>> -> memref<80x125xi32, #tpu.memory_space<hbm>>
        %dma_start3A_260 = arith.constant 0 : i32
        %dma_start3A_261 = tpu.memref_slice %dma_start3A_259[%add3A_248, %dma_start3A_260] : memref<80x125xi32, #tpu.memory_space<hbm>> -> memref<1x125xi32, #tpu.memory_space<hbm>>
        %dma_start3A_262 = tpu.memref_squeeze %dma_start3A_261 : memref<1x125xi32, #tpu.memory_space<hbm>> -> memref<125xi32, #tpu.memory_space<hbm>>
        tpu.enqueue_dma source(%dma_start3A_262 : memref<125xi32, #tpu.memory_space<hbm>>) target(%arg16 : memref<125xi32, #tpu.memory_space<vmem>>) target_semaphore(%arg22 : memref<!tpu.dma_semaphore, #tpu.memory_space<semaphore_mem>>)
        %add3A_263 = arith.constant 2 : i32
        %add3A_264 = arith.addi %add3A_42, %add3A_263 : i32
        %add3A_265 = arith.constant 1 : i32
        %add3A_266 = arith.addi %add3A_264, %add3A_265 : i32
        %dma_start3A_267 = arith.constant 0 : i32
        %dma_start3A_268 = arith.constant 0 : i32
        %dma_start3A_269 = tpu.memref_slice %arg3[%add3A, %dma_start3A_267, %dma_start3A_268] : memref<32x80x125xi32, #tpu.memory_space<hbm>> -> memref<1x80x125xi32, #tpu.memory_space<hbm>>
        %dma_start3A_270 = tpu.memref_squeeze %dma_start3A_269 : memref<1x80x125xi32, #tpu.memory_space<hbm>> -> memref<80x125xi32, #tpu.memory_space<hbm>>
        %dma_start3A_271 = arith.constant 0 : i32
        %dma_start3A_272 = tpu.memref_slice %dma_start3A_270[%add3A_266, %dma_start3A_271] : memref<80x125xi32, #tpu.memory_space<hbm>> -> memref<1x125xi32, #tpu.memory_space<hbm>>
        %dma_start3A_273 = tpu.memref_squeeze %dma_start3A_272 : memref<1x125xi32, #tpu.memory_space<hbm>> -> memref<125xi32, #tpu.memory_space<hbm>>
        %dma_start3A_274 = arith.constant 0 : i32
        %dma_start3A_275 = arith.constant 0 : i32
        %dma_start3A_276 = tpu.memref_slice %arg3[%add3A, %dma_start3A_274, %dma_start3A_275] : memref<32x80x125xi32, #tpu.memory_space<hbm>> -> memref<1x80x125xi32, #tpu.memory_space<hbm>>
        %dma_start3A_277 = tpu.memref_squeeze %dma_start3A_276 : memref<1x80x125xi32, #tpu.memory_space<hbm>> -> memref<80x125xi32, #tpu.memory_space<hbm>>
        %dma_start3A_278 = arith.constant 0 : i32
        %dma_start3A_279 = tpu.memref_slice %dma_start3A_277[%add3A_266, %dma_start3A_278] : memref<80x125xi32, #tpu.memory_space<hbm>> -> memref<1x125xi32, #tpu.memory_space<hbm>>
        %dma_start3A_280 = tpu.memref_squeeze %dma_start3A_279 : memref<1x125xi32, #tpu.memory_space<hbm>> -> memref<125xi32, #tpu.memory_space<hbm>>
        tpu.enqueue_dma source(%dma_start3A_280 : memref<125xi32, #tpu.memory_space<hbm>>) target(%arg17 : memref<125xi32, #tpu.memory_space<vmem>>) target_semaphore(%arg23 : memref<!tpu.dma_semaphore, #tpu.memory_space<semaphore_mem>>)
      } else {
      }
      %dma_wait3A_82 = arith.constant 0 : i32
      %dma_wait3A_83 = arith.constant 0 : i32
      %dma_wait3A_84 = tpu.memref_slice %arg2[%dma_wait3A_82, %dma_wait3A_83] : memref<10000x128xf32, #tpu.memory_space<hbm>> -> memref<10000x128xf32, #tpu.memory_space<hbm>>
      tpu.wait_indirect_dma semaphore(%arg24 : memref<!tpu.dma_semaphore, #tpu.memory_space<semaphore_mem>>) src(%dma_wait3A_84 : memref<10000x128xf32, #tpu.memory_space<hbm>>) dst(%arg18 : memref<125x128xf32, #tpu.memory_space<vmem>>)
      %add3A_85 = arith.constant 0 : i32
      %add3A_86 = arith.addi %add3A_42, %add3A_85 : i32
      %dma_start3A_87 = arith.constant 0 : i32
      %dma_start3A_88 = tpu.memref_slice %arg12[%add3A_86, %dma_start3A_87] : memref<80x125xi32, #tpu.memory_space<vmem>> -> memref<1x125xi32, #tpu.memory_space<vmem>>
      %dma_start3A_89 = tpu.memref_squeeze %dma_start3A_88 : memref<1x125xi32, #tpu.memory_space<vmem>> -> memref<125xi32, #tpu.memory_space<vmem>>
      %dma_start3A_90 = arith.constant 0 : i32
      %dma_start3A_91 = arith.constant 0 : i32
      %dma_start3A_92 = tpu.memref_slice %arg10[%dma_start3A_90, %dma_start3A_91] : memref<10240x128xf32, #tpu.memory_space<vmem_shared>> -> memref<10240x128xf32, #tpu.memory_space<vmem_shared>>
      tpu.enqueue_indirect_dma source(%arg18 : memref<125x128xf32, #tpu.memory_space<vmem>>) target(%dma_start3A_92 : memref<10240x128xf32, #tpu.memory_space<vmem_shared>>) offsets(%dma_start3A_89 : memref<125xi32, #tpu.memory_space<vmem>>) semaphore(%arg26 : memref<!tpu.dma_semaphore, #tpu.memory_space<semaphore_mem>>) {add = true}
      %add3A_93 = arith.constant 0 : i32
      %add3A_94 = arith.addi %add3A_42, %add3A_93 : i32
      %dma_start3A_95 = arith.constant 0 : i32
      %dma_start3A_96 = tpu.memref_slice %arg12[%add3A_94, %dma_start3A_95] : memref<80x125xi32, #tpu.memory_space<vmem>> -> memref<1x125xi32, #tpu.memory_space<vmem>>
      %dma_start3A_97 = tpu.memref_squeeze %dma_start3A_96 : memref<1x125xi32, #tpu.memory_space<vmem>> -> memref<125xi32, #tpu.memory_space<vmem>>
      %dma_start3A_98 = arith.constant 0 : i32
      %dma_start3A_99 = tpu.memref_slice %arg11[%dma_start3A_98] : memref<10240xf32, #tpu.memory_space<vmem_shared>> -> memref<10240xf32, #tpu.memory_space<vmem_shared>>
      tpu.enqueue_indirect_dma source(%arg13 : memref<125xf32, #tpu.memory_space<vmem>>) target(%dma_start3A_99 : memref<10240xf32, #tpu.memory_space<vmem_shared>>) offsets(%dma_start3A_97 : memref<125xi32, #tpu.memory_space<vmem>>) semaphore(%arg28 : memref<!tpu.dma_semaphore, #tpu.memory_space<semaphore_mem>>) {add = true}
      %dma_wait3A_100 = arith.constant 0 : i32
      %dma_wait3A_101 = arith.constant 0 : i32
      %dma_wait3A_102 = tpu.memref_slice %arg2[%dma_wait3A_100, %dma_wait3A_101] : memref<10000x128xf32, #tpu.memory_space<hbm>> -> memref<10000x128xf32, #tpu.memory_space<hbm>>
      tpu.wait_indirect_dma semaphore(%arg25 : memref<!tpu.dma_semaphore, #tpu.memory_space<semaphore_mem>>) src(%dma_wait3A_102 : memref<10000x128xf32, #tpu.memory_space<hbm>>) dst(%arg19 : memref<125x128xf32, #tpu.memory_space<vmem>>)
      %add3A_103 = arith.constant 1 : i32
      %add3A_104 = arith.addi %add3A_42, %add3A_103 : i32
      %dma_start3A_105 = arith.constant 0 : i32
      %dma_start3A_106 = tpu.memref_slice %arg12[%add3A_104, %dma_start3A_105] : memref<80x125xi32, #tpu.memory_space<vmem>> -> memref<1x125xi32, #tpu.memory_space<vmem>>
      %dma_start3A_107 = tpu.memref_squeeze %dma_start3A_106 : memref<1x125xi32, #tpu.memory_space<vmem>> -> memref<125xi32, #tpu.memory_space<vmem>>
      %dma_start3A_108 = arith.constant 0 : i32
      %dma_start3A_109 = arith.constant 0 : i32
      %dma_start3A_110 = tpu.memref_slice %arg10[%dma_start3A_108, %dma_start3A_109] : memref<10240x128xf32, #tpu.memory_space<vmem_shared>> -> memref<10240x128xf32, #tpu.memory_space<vmem_shared>>
      tpu.enqueue_indirect_dma source(%arg19 : memref<125x128xf32, #tpu.memory_space<vmem>>) target(%dma_start3A_110 : memref<10240x128xf32, #tpu.memory_space<vmem_shared>>) offsets(%dma_start3A_107 : memref<125xi32, #tpu.memory_space<vmem>>) semaphore(%arg27 : memref<!tpu.dma_semaphore, #tpu.memory_space<semaphore_mem>>) {add = true}
      %add3A_111 = arith.constant 1 : i32
      %add3A_112 = arith.addi %add3A_42, %add3A_111 : i32
      %dma_start3A_113 = arith.constant 0 : i32
      %dma_start3A_114 = tpu.memref_slice %arg12[%add3A_112, %dma_start3A_113] : memref<80x125xi32, #tpu.memory_space<vmem>> -> memref<1x125xi32, #tpu.memory_space<vmem>>
      %dma_start3A_115 = tpu.memref_squeeze %dma_start3A_114 : memref<1x125xi32, #tpu.memory_space<vmem>> -> memref<125xi32, #tpu.memory_space<vmem>>
      %dma_start3A_116 = arith.constant 0 : i32
      %dma_start3A_117 = tpu.memref_slice %arg11[%dma_start3A_116] : memref<10240xf32, #tpu.memory_space<vmem_shared>> -> memref<10240xf32, #tpu.memory_space<vmem_shared>>
      tpu.enqueue_indirect_dma source(%arg13 : memref<125xf32, #tpu.memory_space<vmem>>) target(%dma_start3A_117 : memref<10240xf32, #tpu.memory_space<vmem_shared>>) offsets(%dma_start3A_115 : memref<125xi32, #tpu.memory_space<vmem>>) semaphore(%arg29 : memref<!tpu.dma_semaphore, #tpu.memory_space<semaphore_mem>>) {add = true}
      %dma_wait3A_118 = arith.constant 0 : i32
      %dma_wait3A_119 = tpu.memref_slice %arg12[%add3A_86, %dma_wait3A_118] : memref<80x125xi32, #tpu.memory_space<vmem>> -> memref<1x125xi32, #tpu.memory_space<vmem>>
      %dma_wait3A_120 = tpu.memref_squeeze %dma_wait3A_119 : memref<1x125xi32, #tpu.memory_space<vmem>> -> memref<125xi32, #tpu.memory_space<vmem>>
      %dma_wait3A_121 = arith.constant 0 : i32
      %dma_wait3A_122 = arith.constant 0 : i32
      %dma_wait3A_123 = tpu.memref_slice %arg10[%dma_wait3A_121, %dma_wait3A_122] : memref<10240x128xf32, #tpu.memory_space<vmem_shared>> -> memref<10240x128xf32, #tpu.memory_space<vmem_shared>>
      tpu.wait_indirect_dma semaphore(%arg26 : memref<!tpu.dma_semaphore, #tpu.memory_space<semaphore_mem>>) src(%arg18 : memref<125x128xf32, #tpu.memory_space<vmem>>) dst(%dma_wait3A_123 : memref<10240x128xf32, #tpu.memory_space<vmem_shared>>)
      %dma_wait3A_124 = arith.constant 0 : i32
      %dma_wait3A_125 = tpu.memref_slice %arg12[%add3A_94, %dma_wait3A_124] : memref<80x125xi32, #tpu.memory_space<vmem>> -> memref<1x125xi32, #tpu.memory_space<vmem>>
      %dma_wait3A_126 = tpu.memref_squeeze %dma_wait3A_125 : memref<1x125xi32, #tpu.memory_space<vmem>> -> memref<125xi32, #tpu.memory_space<vmem>>
      %dma_wait3A_127 = arith.constant 0 : i32
      %dma_wait3A_128 = tpu.memref_slice %arg11[%dma_wait3A_127] : memref<10240xf32, #tpu.memory_space<vmem_shared>> -> memref<10240xf32, #tpu.memory_space<vmem_shared>>
      tpu.wait_indirect_dma semaphore(%arg28 : memref<!tpu.dma_semaphore, #tpu.memory_space<semaphore_mem>>) src(%arg13 : memref<125xf32, #tpu.memory_space<vmem>>) dst(%dma_wait3A_128 : memref<10240xf32, #tpu.memory_space<vmem_shared>>)
      %dma_wait3A_129 = arith.constant 0 : i32
      %dma_wait3A_130 = tpu.memref_slice %arg12[%add3A_104, %dma_wait3A_129] : memref<80x125xi32, #tpu.memory_space<vmem>> -> memref<1x125xi32, #tpu.memory_space<vmem>>
      %dma_wait3A_131 = tpu.memref_squeeze %dma_wait3A_130 : memref<1x125xi32, #tpu.memory_space<vmem>> -> memref<125xi32, #tpu.memory_space<vmem>>
      %dma_wait3A_132 = arith.constant 0 : i32
      %dma_wait3A_133 = arith.constant 0 : i32
      %dma_wait3A_134 = tpu.memref_slice %arg10[%dma_wait3A_132, %dma_wait3A_133] : memref<10240x128xf32, #tpu.memory_space<vmem_shared>> -> memref<10240x128xf32, #tpu.memory_space<vmem_shared>>
      tpu.wait_indirect_dma semaphore(%arg27 : memref<!tpu.dma_semaphore, #tpu.memory_space<semaphore_mem>>) src(%arg19 : memref<125x128xf32, #tpu.memory_space<vmem>>) dst(%dma_wait3A_134 : memref<10240x128xf32, #tpu.memory_space<vmem_shared>>)
      %dma_wait3A_135 = arith.constant 0 : i32
      %dma_wait3A_136 = tpu.memref_slice %arg12[%add3A_112, %dma_wait3A_135] : memref<80x125xi32, #tpu.memory_space<vmem>> -> memref<1x125xi32, #tpu.memory_space<vmem>>
      %dma_wait3A_137 = tpu.memref_squeeze %dma_wait3A_136 : memref<1x125xi32, #tpu.memory_space<vmem>> -> memref<125xi32, #tpu.memory_space<vmem>>
      %dma_wait3A_138 = arith.constant 0 : i32
      %dma_wait3A_139 = tpu.memref_slice %arg11[%dma_wait3A_138] : memref<10240xf32, #tpu.memory_space<vmem_shared>> -> memref<10240xf32, #tpu.memory_space<vmem_shared>>
      tpu.wait_indirect_dma semaphore(%arg29 : memref<!tpu.dma_semaphore, #tpu.memory_space<semaphore_mem>>) src(%arg13 : memref<125xf32, #tpu.memory_space<vmem>>) dst(%dma_wait3A_139 : memref<10240xf32, #tpu.memory_space<vmem_shared>>)
      %mul3A_140 = arith.constant 4 : i32
      %mul3A_141 = arith.muli %scan3A_38, %mul3A_140 : i32
      %add3A_142 = arith.constant 2 : i32
      %add3A_143 = arith.addi %mul3A_141, %add3A_142 : i32
      %dma_wait3A_144 = arith.constant 0 : i32
      %dma_wait3A_145 = arith.constant 0 : i32
      %dma_wait3A_146 = arith.constant 0 : i32
      %dma_wait3A_147 = tpu.memref_slice %arg3[%add3A, %dma_wait3A_145, %dma_wait3A_146] : memref<32x80x125xi32, #tpu.memory_space<hbm>> -> memref<1x80x125xi32, #tpu.memory_space<hbm>>
      %dma_wait3A_148 = tpu.memref_squeeze %dma_wait3A_147 : memref<1x80x125xi32, #tpu.memory_space<hbm>> -> memref<80x125xi32, #tpu.memory_space<hbm>>
      %dma_wait3A_149 = arith.constant 0 : i32
      %dma_wait3A_150 = tpu.memref_slice %dma_wait3A_148[%dma_wait3A_144, %dma_wait3A_149] : memref<80x125xi32, #tpu.memory_space<hbm>> -> memref<1x125xi32, #tpu.memory_space<hbm>>
      %dma_wait3A_151 = tpu.memref_squeeze %dma_wait3A_150 : memref<1x125xi32, #tpu.memory_space<hbm>> -> memref<125xi32, #tpu.memory_space<hbm>>
      %dma_wait3A_152 = arith.constant 0 : i32
      %dma_wait3A_153 = arith.constant 0 : i32
      %dma_wait3A_154 = tpu.memref_slice %arg3[%add3A, %dma_wait3A_152, %dma_wait3A_153] : memref<32x80x125xi32, #tpu.memory_space<hbm>> -> memref<1x80x125xi32, #tpu.memory_space<hbm>>
      %dma_wait3A_155 = tpu.memref_squeeze %dma_wait3A_154 : memref<1x80x125xi32, #tpu.memory_space<hbm>> -> memref<80x125xi32, #tpu.memory_space<hbm>>
      %dma_wait3A_156 = arith.constant 0 : i32
      %dma_wait3A_157 = tpu.memref_slice %dma_wait3A_155[%dma_wait3A_144, %dma_wait3A_156] : memref<80x125xi32, #tpu.memory_space<hbm>> -> memref<1x125xi32, #tpu.memory_space<hbm>>
      %dma_wait3A_158 = tpu.memref_squeeze %dma_wait3A_157 : memref<1x125xi32, #tpu.memory_space<hbm>> -> memref<125xi32, #tpu.memory_space<hbm>>
      tpu.wait_dma2 semaphore(%arg22 : memref<!tpu.dma_semaphore, #tpu.memory_space<semaphore_mem>>) src(%dma_wait3A_158 : memref<125xi32, #tpu.memory_space<hbm>>) dst(%arg16 : memref<125xi32, #tpu.memory_space<vmem>>)
      %dma_start3A_159 = arith.constant 0 : i32
      %dma_start3A_160 = arith.constant 0 : i32
      %dma_start3A_161 = tpu.memref_slice %arg2[%dma_start3A_159, %dma_start3A_160] : memref<10000x128xf32, #tpu.memory_space<hbm>> -> memref<10000x128xf32, #tpu.memory_space<hbm>>
      tpu.enqueue_indirect_dma source(%dma_start3A_161 : memref<10000x128xf32, #tpu.memory_space<hbm>>) target(%arg18 : memref<125x128xf32, #tpu.memory_space<vmem>>) offsets(%arg16 : memref<125xi32, #tpu.memory_space<vmem>>) semaphore(%arg24 : memref<!tpu.dma_semaphore, #tpu.memory_space<semaphore_mem>>)
      %dma_wait3A_162 = arith.constant 0 : i32
      %dma_wait3A_163 = arith.constant 0 : i32
      %dma_wait3A_164 = arith.constant 0 : i32
      %dma_wait3A_165 = tpu.memref_slice %arg3[%add3A, %dma_wait3A_163, %dma_wait3A_164] : memref<32x80x125xi32, #tpu.memory_space<hbm>> -> memref<1x80x125xi32, #tpu.memory_space<hbm>>
      %dma_wait3A_166 = tpu.memref_squeeze %dma_wait3A_165 : memref<1x80x125xi32, #tpu.memory_space<hbm>> -> memref<80x125xi32, #tpu.memory_space<hbm>>
      %dma_wait3A_167 = arith.constant 0 : i32
      %dma_wait3A_168 = tpu.memref_slice %dma_wait3A_166[%dma_wait3A_162, %dma_wait3A_167] : memref<80x125xi32, #tpu.memory_space<hbm>> -> memref<1x125xi32, #tpu.memory_space<hbm>>
      %dma_wait3A_169 = tpu.memref_squeeze %dma_wait3A_168 : memref<1x125xi32, #tpu.memory_space<hbm>> -> memref<125xi32, #tpu.memory_space<hbm>>
      %dma_wait3A_170 = arith.constant 0 : i32
      %dma_wait3A_171 = arith.constant 0 : i32
      %dma_wait3A_172 = tpu.memref_slice %arg3[%add3A, %dma_wait3A_170, %dma_wait3A_171] : memref<32x80x125xi32, #tpu.memory_space<hbm>> -> memref<1x80x125xi32, #tpu.memory_space<hbm>>
      %dma_wait3A_173 = tpu.memref_squeeze %dma_wait3A_172 : memref<1x80x125xi32, #tpu.memory_space<hbm>> -> memref<80x125xi32, #tpu.memory_space<hbm>>
      %dma_wait3A_174 = arith.constant 0 : i32
      %dma_wait3A_175 = tpu.memref_slice %dma_wait3A_173[%dma_wait3A_162, %dma_wait3A_174] : memref<80x125xi32, #tpu.memory_space<hbm>> -> memref<1x125xi32, #tpu.memory_space<hbm>>
      %dma_wait3A_176 = tpu.memref_squeeze %dma_wait3A_175 : memref<1x125xi32, #tpu.memory_space<hbm>> -> memref<125xi32, #tpu.memory_space<hbm>>
      tpu.wait_dma2 semaphore(%arg23 : memref<!tpu.dma_semaphore, #tpu.memory_space<semaphore_mem>>) src(%dma_wait3A_176 : memref<125xi32, #tpu.memory_space<hbm>>) dst(%arg17 : memref<125xi32, #tpu.memory_space<vmem>>)
      %dma_start3A_177 = arith.constant 0 : i32
      %dma_start3A_178 = arith.constant 0 : i32
      %dma_start3A_179 = tpu.memref_slice %arg2[%dma_start3A_177, %dma_start3A_178] : memref<10000x128xf32, #tpu.memory_space<hbm>> -> memref<10000x128xf32, #tpu.memory_space<hbm>>
      tpu.enqueue_indirect_dma source(%dma_start3A_179 : memref<10000x128xf32, #tpu.memory_space<hbm>>) target(%arg19 : memref<125x128xf32, #tpu.memory_space<vmem>>) offsets(%arg17 : memref<125xi32, #tpu.memory_space<vmem>>) semaphore(%arg25 : memref<!tpu.dma_semaphore, #tpu.memory_space<semaphore_mem>>)
      %add3A_180 = arith.constant 2 : i32
      %add3A_181 = arith.addi %add3A_143, %add3A_180 : i32
      %lt3A_182 = arith.constant 80 : i32
      %lt3A_183 = arith.cmpi slt, %add3A_181, %lt3A_182 : i32
      %convert_element_type3A_184 = arith.extui %lt3A_183 : i1 to i32
      %cond3A_185 = arith.constant 0 : i32
      %cond3A_186 = arith.cmpi ne, %convert_element_type3A_184, %cond3A_185 : i32
      scf.if %cond3A_186 {
        %add3A_245 = arith.constant 2 : i32
        %add3A_246 = arith.addi %add3A_143, %add3A_245 : i32
        %add3A_247 = arith.constant 0 : i32
        %add3A_248 = arith.addi %add3A_246, %add3A_247 : i32
        %dma_start3A_249 = arith.constant 0 : i32
        %dma_start3A_250 = arith.constant 0 : i32
        %dma_start3A_251 = tpu.memref_slice %arg3[%add3A, %dma_start3A_249, %dma_start3A_250] : memref<32x80x125xi32, #tpu.memory_space<hbm>> -> memref<1x80x125xi32, #tpu.memory_space<hbm>>
        %dma_start3A_252 = tpu.memref_squeeze %dma_start3A_251 : memref<1x80x125xi32, #tpu.memory_space<hbm>> -> memref<80x125xi32, #tpu.memory_space<hbm>>
        %dma_start3A_253 = arith.constant 0 : i32
        %dma_start3A_254 = tpu.memref_slice %dma_start3A_252[%add3A_248, %dma_start3A_253] : memref<80x125xi32, #tpu.memory_space<hbm>> -> memref<1x125xi32, #tpu.memory_space<hbm>>
        %dma_start3A_255 = tpu.memref_squeeze %dma_start3A_254 : memref<1x125xi32, #tpu.memory_space<hbm>> -> memref<125xi32, #tpu.memory_space<hbm>>
        %dma_start3A_256 = arith.constant 0 : i32
        %dma_start3A_257 = arith.constant 0 : i32
        %dma_start3A_258 = tpu.memref_slice %arg3[%add3A, %dma_start3A_256, %dma_start3A_257] : memref<32x80x125xi32, #tpu.memory_space<hbm>> -> memref<1x80x125xi32, #tpu.memory_space<hbm>>
        %dma_start3A_259 = tpu.memref_squeeze %dma_start3A_258 : memref<1x80x125xi32, #tpu.memory_space<hbm>> -> memref<80x125xi32, #tpu.memory_space<hbm>>
        %dma_start3A_260 = arith.constant 0 : i32
        %dma_start3A_261 = tpu.memref_slice %dma_start3A_259[%add3A_248, %dma_start3A_260] : memref<80x125xi32, #tpu.memory_space<hbm>> -> memref<1x125xi32, #tpu.memory_space<hbm>>
        %dma_start3A_262 = tpu.memref_squeeze %dma_start3A_261 : memref<1x125xi32, #tpu.memory_space<hbm>> -> memref<125xi32, #tpu.memory_space<hbm>>
        tpu.enqueue_dma source(%dma_start3A_262 : memref<125xi32, #tpu.memory_space<hbm>>) target(%arg14 : memref<125xi32, #tpu.memory_space<vmem>>) target_semaphore(%arg20 : memref<!tpu.dma_semaphore, #tpu.memory_space<semaphore_mem>>)
        %add3A_263 = arith.constant 2 : i32
        %add3A_264 = arith.addi %add3A_143, %add3A_263 : i32
        %add3A_265 = arith.constant 1 : i32
        %add3A_266 = arith.addi %add3A_264, %add3A_265 : i32
        %dma_start3A_267 = arith.constant 0 : i32
        %dma_start3A_268 = arith.constant 0 : i32
        %dma_start3A_269 = tpu.memref_slice %arg3[%add3A, %dma_start3A_267, %dma_start3A_268] : memref<32x80x125xi32, #tpu.memory_space<hbm>> -> memref<1x80x125xi32, #tpu.memory_space<hbm>>
        %dma_start3A_270 = tpu.memref_squeeze %dma_start3A_269 : memref<1x80x125xi32, #tpu.memory_space<hbm>> -> memref<80x125xi32, #tpu.memory_space<hbm>>
        %dma_start3A_271 = arith.constant 0 : i32
        %dma_start3A_272 = tpu.memref_slice %dma_start3A_270[%add3A_266, %dma_start3A_271] : memref<80x125xi32, #tpu.memory_space<hbm>> -> memref<1x125xi32, #tpu.memory_space<hbm>>
        %dma_start3A_273 = tpu.memref_squeeze %dma_start3A_272 : memref<1x125xi32, #tpu.memory_space<hbm>> -> memref<125xi32, #tpu.memory_space<hbm>>
        %dma_start3A_274 = arith.constant 0 : i32
        %dma_start3A_275 = arith.constant 0 : i32
        %dma_start3A_276 = tpu.memref_slice %arg3[%add3A, %dma_start3A_274, %dma_start3A_275] : memref<32x80x125xi32, #tpu.memory_space<hbm>> -> memref<1x80x125xi32, #tpu.memory_space<hbm>>
        %dma_start3A_277 = tpu.memref_squeeze %dma_start3A_276 : memref<1x80x125xi32, #tpu.memory_space<hbm>> -> memref<80x125xi32, #tpu.memory_space<hbm>>
        %dma_start3A_278 = arith.constant 0 : i32
        %dma_start3A_279 = tpu.memref_slice %dma_start3A_277[%add3A_266, %dma_start3A_278] : memref<80x125xi32, #tpu.memory_space<hbm>> -> memref<1x125xi32, #tpu.memory_space<hbm>>
        %dma_start3A_280 = tpu.memref_squeeze %dma_start3A_279 : memref<1x125xi32, #tpu.memory_space<hbm>> -> memref<125xi32, #tpu.memory_space<hbm>>
        tpu.enqueue_dma source(%dma_start3A_280 : memref<125xi32, #tpu.memory_space<hbm>>) target(%arg15 : memref<125xi32, #tpu.memory_space<vmem>>) target_semaphore(%arg21 : memref<!tpu.dma_semaphore, #tpu.memory_space<semaphore_mem>>)
      } else {
      }
      %dma_wait3A_187 = arith.constant 0 : i32
      %dma_wait3A_188 = arith.constant 0 : i32
      %dma_wait3A_189 = tpu.memref_slice %arg2[%dma_wait3A_187, %dma_wait3A_188] : memref<10000x128xf32, #tpu.memory_space<hbm>> -> memref<10000x128xf32, #tpu.memory_space<hbm>>
      tpu.wait_indirect_dma semaphore(%arg24 : memref<!tpu.dma_semaphore, #tpu.memory_space<semaphore_mem>>) src(%dma_wait3A_189 : memref<10000x128xf32, #tpu.memory_space<hbm>>) dst(%arg18 : memref<125x128xf32, #tpu.memory_space<vmem>>)
      %add3A_190 = arith.constant 0 : i32
      %add3A_191 = arith.addi %add3A_143, %add3A_190 : i32
      %dma_start3A_192 = arith.constant 0 : i32
      %dma_start3A_193 = tpu.memref_slice %arg12[%add3A_191, %dma_start3A_192] : memref<80x125xi32, #tpu.memory_space<vmem>> -> memref<1x125xi32, #tpu.memory_space<vmem>>
      %dma_start3A_194 = tpu.memref_squeeze %dma_start3A_193 : memref<1x125xi32, #tpu.memory_space<vmem>> -> memref<125xi32, #tpu.memory_space<vmem>>
      %dma_start3A_195 = arith.constant 0 : i32
      %dma_start3A_196 = arith.constant 0 : i32
      %dma_start3A_197 = tpu.memref_slice %arg10[%dma_start3A_195, %dma_start3A_196] : memref<10240x128xf32, #tpu.memory_space<vmem_shared>> -> memref<10240x128xf32, #tpu.memory_space<vmem_shared>>
      tpu.enqueue_indirect_dma source(%arg18 : memref<125x128xf32, #tpu.memory_space<vmem>>) target(%dma_start3A_197 : memref<10240x128xf32, #tpu.memory_space<vmem_shared>>) offsets(%dma_start3A_194 : memref<125xi32, #tpu.memory_space<vmem>>) semaphore(%arg26 : memref<!tpu.dma_semaphore, #tpu.memory_space<semaphore_mem>>) {add = true}
      %add3A_198 = arith.constant 0 : i32
      %add3A_199 = arith.addi %add3A_143, %add3A_198 : i32
      %dma_start3A_200 = arith.constant 0 : i32
      %dma_start3A_201 = tpu.memref_slice %arg12[%add3A_199, %dma_start3A_200] : memref<80x125xi32, #tpu.memory_space<vmem>> -> memref<1x125xi32, #tpu.memory_space<vmem>>
      %dma_start3A_202 = tpu.memref_squeeze %dma_start3A_201 : memref<1x125xi32, #tpu.memory_space<vmem>> -> memref<125xi32, #tpu.memory_space<vmem>>
      %dma_start3A_203 = arith.constant 0 : i32
      %dma_start3A_204 = tpu.memref_slice %arg11[%dma_start3A_203] : memref<10240xf32, #tpu.memory_space<vmem_shared>> -> memref<10240xf32, #tpu.memory_space<vmem_shared>>
      tpu.enqueue_indirect_dma source(%arg13 : memref<125xf32, #tpu.memory_space<vmem>>) target(%dma_start3A_204 : memref<10240xf32, #tpu.memory_space<vmem_shared>>) offsets(%dma_start3A_202 : memref<125xi32, #tpu.memory_space<vmem>>) semaphore(%arg28 : memref<!tpu.dma_semaphore, #tpu.memory_space<semaphore_mem>>) {add = true}
      %dma_wait3A_205 = arith.constant 0 : i32
      %dma_wait3A_206 = arith.constant 0 : i32
      %dma_wait3A_207 = tpu.memref_slice %arg2[%dma_wait3A_205, %dma_wait3A_206] : memref<10000x128xf32, #tpu.memory_space<hbm>> -> memref<10000x128xf32, #tpu.memory_space<hbm>>
      tpu.wait_indirect_dma semaphore(%arg25 : memref<!tpu.dma_semaphore, #tpu.memory_space<semaphore_mem>>) src(%dma_wait3A_207 : memref<10000x128xf32, #tpu.memory_space<hbm>>) dst(%arg19 : memref<125x128xf32, #tpu.memory_space<vmem>>)
      %add3A_208 = arith.constant 1 : i32
      %add3A_209 = arith.addi %add3A_143, %add3A_208 : i32
      %dma_start3A_210 = arith.constant 0 : i32
      %dma_start3A_211 = tpu.memref_slice %arg12[%add3A_209, %dma_start3A_210] : memref<80x125xi32, #tpu.memory_space<vmem>> -> memref<1x125xi32, #tpu.memory_space<vmem>>
      %dma_start3A_212 = tpu.memref_squeeze %dma_start3A_211 : memref<1x125xi32, #tpu.memory_space<vmem>> -> memref<125xi32, #tpu.memory_space<vmem>>
      %dma_start3A_213 = arith.constant 0 : i32
      %dma_start3A_214 = arith.constant 0 : i32
      %dma_start3A_215 = tpu.memref_slice %arg10[%dma_start3A_213, %dma_start3A_214] : memref<10240x128xf32, #tpu.memory_space<vmem_shared>> -> memref<10240x128xf32, #tpu.memory_space<vmem_shared>>
      tpu.enqueue_indirect_dma source(%arg19 : memref<125x128xf32, #tpu.memory_space<vmem>>) target(%dma_start3A_215 : memref<10240x128xf32, #tpu.memory_space<vmem_shared>>) offsets(%dma_start3A_212 : memref<125xi32, #tpu.memory_space<vmem>>) semaphore(%arg27 : memref<!tpu.dma_semaphore, #tpu.memory_space<semaphore_mem>>) {add = true}
      %add3A_216 = arith.constant 1 : i32
      %add3A_217 = arith.addi %add3A_143, %add3A_216 : i32
      %dma_start3A_218 = arith.constant 0 : i32
      %dma_start3A_219 = tpu.memref_slice %arg12[%add3A_217, %dma_start3A_218] : memref<80x125xi32, #tpu.memory_space<vmem>> -> memref<1x125xi32, #tpu.memory_space<vmem>>
      %dma_start3A_220 = tpu.memref_squeeze %dma_start3A_219 : memref<1x125xi32, #tpu.memory_space<vmem>> -> memref<125xi32, #tpu.memory_space<vmem>>
      %dma_start3A_221 = arith.constant 0 : i32
      %dma_start3A_222 = tpu.memref_slice %arg11[%dma_start3A_221] : memref<10240xf32, #tpu.memory_space<vmem_shared>> -> memref<10240xf32, #tpu.memory_space<vmem_shared>>
      tpu.enqueue_indirect_dma source(%arg13 : memref<125xf32, #tpu.memory_space<vmem>>) target(%dma_start3A_222 : memref<10240xf32, #tpu.memory_space<vmem_shared>>) offsets(%dma_start3A_220 : memref<125xi32, #tpu.memory_space<vmem>>) semaphore(%arg29 : memref<!tpu.dma_semaphore, #tpu.memory_space<semaphore_mem>>) {add = true}
      %dma_wait3A_223 = arith.constant 0 : i32
      %dma_wait3A_224 = tpu.memref_slice %arg12[%add3A_191, %dma_wait3A_223] : memref<80x125xi32, #tpu.memory_space<vmem>> -> memref<1x125xi32, #tpu.memory_space<vmem>>
      %dma_wait3A_225 = tpu.memref_squeeze %dma_wait3A_224 : memref<1x125xi32, #tpu.memory_space<vmem>> -> memref<125xi32, #tpu.memory_space<vmem>>
      %dma_wait3A_226 = arith.constant 0 : i32
      %dma_wait3A_227 = arith.constant 0 : i32
      %dma_wait3A_228 = tpu.memref_slice %arg10[%dma_wait3A_226, %dma_wait3A_227] : memref<10240x128xf32, #tpu.memory_space<vmem_shared>> -> memref<10240x128xf32, #tpu.memory_space<vmem_shared>>
      tpu.wait_indirect_dma semaphore(%arg26 : memref<!tpu.dma_semaphore, #tpu.memory_space<semaphore_mem>>) src(%arg18 : memref<125x128xf32, #tpu.memory_space<vmem>>) dst(%dma_wait3A_228 : memref<10240x128xf32, #tpu.memory_space<vmem_shared>>)
      %dma_wait3A_229 = arith.constant 0 : i32
      %dma_wait3A_230 = tpu.memref_slice %arg12[%add3A_199, %dma_wait3A_229] : memref<80x125xi32, #tpu.memory_space<vmem>> -> memref<1x125xi32, #tpu.memory_space<vmem>>
      %dma_wait3A_231 = tpu.memref_squeeze %dma_wait3A_230 : memref<1x125xi32, #tpu.memory_space<vmem>> -> memref<125xi32, #tpu.memory_space<vmem>>
      %dma_wait3A_232 = arith.constant 0 : i32
      %dma_wait3A_233 = tpu.memref_slice %arg11[%dma_wait3A_232] : memref<10240xf32, #tpu.memory_space<vmem_shared>> -> memref<10240xf32, #tpu.memory_space<vmem_shared>>
      tpu.wait_indirect_dma semaphore(%arg28 : memref<!tpu.dma_semaphore, #tpu.memory_space<semaphore_mem>>) src(%arg13 : memref<125xf32, #tpu.memory_space<vmem>>) dst(%dma_wait3A_233 : memref<10240xf32, #tpu.memory_space<vmem_shared>>)
      %dma_wait3A_234 = arith.constant 0 : i32
      %dma_wait3A_235 = tpu.memref_slice %arg12[%add3A_209, %dma_wait3A_234] : memref<80x125xi32, #tpu.memory_space<vmem>> -> memref<1x125xi32, #tpu.memory_space<vmem>>
      %dma_wait3A_236 = tpu.memref_squeeze %dma_wait3A_235 : memref<1x125xi32, #tpu.memory_space<vmem>> -> memref<125xi32, #tpu.memory_space<vmem>>
      %dma_wait3A_237 = arith.constant 0 : i32
      %dma_wait3A_238 = arith.constant 0 : i32
      %dma_wait3A_239 = tpu.memref_slice %arg10[%dma_wait3A_237, %dma_wait3A_238] : memref<10240x128xf32, #tpu.memory_space<vmem_shared>> -> memref<10240x128xf32, #tpu.memory_space<vmem_shared>>
      tpu.wait_indirect_dma semaphore(%arg27 : memref<!tpu.dma_semaphore, #tpu.memory_space<semaphore_mem>>) src(%arg19 : memref<125x128xf32, #tpu.memory_space<vmem>>) dst(%dma_wait3A_239 : memref<10240x128xf32, #tpu.memory_space<vmem_shared>>)
      %dma_wait3A_240 = arith.constant 0 : i32
      %dma_wait3A_241 = tpu.memref_slice %arg12[%add3A_217, %dma_wait3A_240] : memref<80x125xi32, #tpu.memory_space<vmem>> -> memref<1x125xi32, #tpu.memory_space<vmem>>
      %dma_wait3A_242 = tpu.memref_squeeze %dma_wait3A_241 : memref<1x125xi32, #tpu.memory_space<vmem>> -> memref<125xi32, #tpu.memory_space<vmem>>
      %dma_wait3A_243 = arith.constant 0 : i32
      %dma_wait3A_244 = tpu.memref_slice %arg11[%dma_wait3A_243] : memref<10240xf32, #tpu.memory_space<vmem_shared>> -> memref<10240xf32, #tpu.memory_space<vmem_shared>>
      tpu.wait_indirect_dma semaphore(%arg29 : memref<!tpu.dma_semaphore, #tpu.memory_space<semaphore_mem>>) src(%arg13 : memref<125xf32, #tpu.memory_space<vmem>>) dst(%dma_wait3A_244 : memref<10240xf32, #tpu.memory_space<vmem_shared>>)
    }
    %scan3A_36 = arith.constant 20 : i32
    %barrier3A_37 = arith.constant 0 : index
    tpu.barrier barrier_id(%barrier3A_37)
    "tpu.region"() ({
      %run_scoped3A = tpu.sem_alloc : memref<!tpu.dma_semaphore, #tpu.memory_space<semaphore_mem>>
      %dma_start3A_38 = arith.constant 0 : i32
      %dma_start3A_39 = arith.constant 0 : i32
      %dma_start3A_40 = tpu.memref_slice %arg8[%arg0, %dma_start3A_38, %dma_start3A_39] : memref<2x10240x128xf32, #tpu.memory_space<hbm>> -> memref<1x10240x128xf32, #tpu.memory_space<hbm>>
      %dma_start3A_41 = tpu.memref_squeeze %dma_start3A_40 : memref<1x10240x128xf32, #tpu.memory_space<hbm>> -> memref<10240x128xf32, #tpu.memory_space<hbm>>
      %dma_start3A_42 = arith.constant 0 : i32
      %dma_start3A_43 = tpu.memref_slice %dma_start3A_41[%mul3A_2, %dma_start3A_42] : memref<10240x128xf32, #tpu.memory_space<hbm>> -> memref<640x128xf32, #tpu.memory_space<hbm>>
      %dma_start3A_44 = arith.constant 0 : i32
      %dma_start3A_45 = tpu.memref_slice %arg10[%mul3A_2, %dma_start3A_44] : memref<10240x128xf32, #tpu.memory_space<vmem_shared>> -> memref<640x128xf32, #tpu.memory_space<vmem_shared>>
      tpu.enqueue_dma source(%dma_start3A_45 : memref<640x128xf32, #tpu.memory_space<vmem_shared>>) target(%dma_start3A_43 : memref<640x128xf32, #tpu.memory_space<hbm>>) target_semaphore(%run_scoped3A : memref<!tpu.dma_semaphore, #tpu.memory_space<semaphore_mem>>)
      %dma_wait3A = arith.constant 0 : i32
      %dma_wait3A_46 = arith.constant 0 : i32
      %dma_wait3A_47 = tpu.memref_slice %arg8[%arg0, %dma_wait3A, %dma_wait3A_46] : memref<2x10240x128xf32, #tpu.memory_space<hbm>> -> memref<1x10240x128xf32, #tpu.memory_space<hbm>>
      %dma_wait3A_48 = tpu.memref_squeeze %dma_wait3A_47 : memref<1x10240x128xf32, #tpu.memory_space<hbm>> -> memref<10240x128xf32, #tpu.memory_space<hbm>>
      %dma_wait3A_49 = arith.constant 0 : i32
      %dma_wait3A_50 = tpu.memref_slice %dma_wait3A_48[%mul3A_2, %dma_wait3A_49] : memref<10240x128xf32, #tpu.memory_space<hbm>> -> memref<640x128xf32, #tpu.memory_space<hbm>>
      %dma_wait3A_51 = arith.constant 0 : i32
      %dma_wait3A_52 = tpu.memref_slice %arg10[%mul3A_2, %dma_wait3A_51] : memref<10240x128xf32, #tpu.memory_space<vmem_shared>> -> memref<640x128xf32, #tpu.memory_space<vmem_shared>>
      tpu.wait_dma2 semaphore(%run_scoped3A : memref<!tpu.dma_semaphore, #tpu.memory_space<semaphore_mem>>) src(%dma_wait3A_52 : memref<640x128xf32, #tpu.memory_space<vmem_shared>>) dst(%dma_wait3A_50 : memref<640x128xf32, #tpu.memory_space<hbm>>)
      tpu.yield
    }) : () -> ()
    "tpu.region"() ({
      %run_scoped3A = tpu.sem_alloc : memref<!tpu.dma_semaphore, #tpu.memory_space<semaphore_mem>>
      %dma_start3A_38 = arith.constant 0 : i32
      %dma_start3A_39 = tpu.memref_slice %arg9[%arg0, %dma_start3A_38] : memref<2x10240xf32, #tpu.memory_space<hbm>> -> memref<1x10240xf32, #tpu.memory_space<hbm>>
      %dma_start3A_40 = tpu.memref_squeeze %dma_start3A_39 : memref<1x10240xf32, #tpu.memory_space<hbm>> -> memref<10240xf32, #tpu.memory_space<hbm>>
      %dma_start3A_41 = tpu.memref_slice %dma_start3A_40[%mul3A_2] : memref<10240xf32, #tpu.memory_space<hbm>> -> memref<640xf32, #tpu.memory_space<hbm>>
      %dma_start3A_42 = tpu.memref_slice %arg11[%mul3A_2] : memref<10240xf32, #tpu.memory_space<vmem_shared>> -> memref<640xf32, #tpu.memory_space<vmem_shared>>
      tpu.enqueue_dma source(%dma_start3A_42 : memref<640xf32, #tpu.memory_space<vmem_shared>>) target(%dma_start3A_41 : memref<640xf32, #tpu.memory_space<hbm>>) target_semaphore(%run_scoped3A : memref<!tpu.dma_semaphore, #tpu.memory_space<semaphore_mem>>)
      %dma_wait3A = arith.constant 0 : i32
      %dma_wait3A_43 = tpu.memref_slice %arg9[%arg0, %dma_wait3A] : memref<2x10240xf32, #tpu.memory_space<hbm>> -> memref<1x10240xf32, #tpu.memory_space<hbm>>
      %dma_wait3A_44 = tpu.memref_squeeze %dma_wait3A_43 : memref<1x10240xf32, #tpu.memory_space<hbm>> -> memref<10240xf32, #tpu.memory_space<hbm>>
      %dma_wait3A_45 = tpu.memref_slice %dma_wait3A_44[%mul3A_2] : memref<10240xf32, #tpu.memory_space<hbm>> -> memref<640xf32, #tpu.memory_space<hbm>>
      %dma_wait3A_46 = tpu.memref_slice %arg11[%mul3A_2] : memref<10240xf32, #tpu.memory_space<vmem_shared>> -> memref<640xf32, #tpu.memory_space<vmem_shared>>
      tpu.wait_dma2 semaphore(%run_scoped3A : memref<!tpu.dma_semaphore, #tpu.memory_space<semaphore_mem>>) src(%dma_wait3A_46 : memref<640xf32, #tpu.memory_space<vmem_shared>>) dst(%dma_wait3A_45 : memref<640xf32, #tpu.memory_space<hbm>>)
      tpu.yield
    }) : () -> ()
    return
  }
}

module attributes {stable_mosaic.version = 14 : i64} {
  func.func @_post_body(%arg0: i32, %arg1: memref<2x10000x128xf32, #tpu.memory_space<vmem>>, %arg2: memref<10000x1xf32, #tpu.memory_space<vmem>>, %arg3: memref<10000x128xf32, #tpu.memory_space<vmem>>, %arg4: memref<128x128xf32, #tpu.memory_space<vmem>>, %arg5: memref<1x128xf32, #tpu.memory_space<vmem>>, %arg6: memref<128x128xf32, #tpu.memory_space<vmem>>, %arg7: memref<128x1xf32, #tpu.memory_space<vmem>>, %arg8: memref<1x1xf32, #tpu.memory_space<vmem>>, %arg9: memref<1x1xf32, #tpu.memory_space<vmem>>, %arg10: memref<10000x1xf32, #tpu.memory_space<vmem>>) attributes {dimension_semantics = [#tpu.dimension_semantics<arbitrary>], iteration_bounds = array<i64: 1>, scalar_prefetch = 0 : i64, scratch_operands = 0 : i64, tpu.core_type = #tpu.core_type<tc>, window_params = [{transform_indices = @transform_0, window_bounds = array<i64: 2, 10000, 128>}, {pipeline_mode = #tpu.pipeline_mode<synchronous>, transform_indices = @transform_1, window_bounds = array<i64: 10000, 1>}, {pipeline_mode = #tpu.pipeline_mode<synchronous>, transform_indices = @transform_2, window_bounds = array<i64: 10000, 128>}, {pipeline_mode = #tpu.pipeline_mode<synchronous>, transform_indices = @transform_3, window_bounds = array<i64: 128, 128>}, {pipeline_mode = #tpu.pipeline_mode<synchronous>, transform_indices = @transform_4, window_bounds = array<i64: 1, 128>}, {pipeline_mode = #tpu.pipeline_mode<synchronous>, transform_indices = @transform_5, window_bounds = array<i64: 128, 128>}, {pipeline_mode = #tpu.pipeline_mode<synchronous>, transform_indices = @transform_6, window_bounds = array<i64: 128, 1>}, {pipeline_mode = #tpu.pipeline_mode<synchronous>, transform_indices = @transform_7, window_bounds = array<i64: 1, 1>}, {pipeline_mode = #tpu.pipeline_mode<synchronous>, transform_indices = @transform_8, window_bounds = array<i64: 1, 1>}, {pipeline_mode = #tpu.pipeline_mode<synchronous>, transform_indices = @transform_9, window_bounds = array<i64: 10000, 1>}]} {
    %get3A = arith.constant 0 : index
    %get3A_0 = arith.constant 0 : index
    %get3A_1 = arith.constant 0 : index
    %get3A_2 = vector.load %arg1[%get3A, %get3A_0, %get3A_1] : memref<2x10000x128xf32, #tpu.memory_space<vmem>>, vector<1x10000x128xf32>
    %get3A_3 = vector.shape_cast %get3A_2 : vector<1x10000x128xf32> to vector<10000x128xf32>
    %get3A_4 = arith.constant 1 : index
    %get3A_5 = arith.constant 0 : index
    %get3A_6 = arith.constant 0 : index
    %get3A_7 = vector.load %arg1[%get3A_4, %get3A_5, %get3A_6] : memref<2x10000x128xf32, #tpu.memory_space<vmem>>, vector<1x10000x128xf32>
    %get3A_8 = vector.shape_cast %get3A_7 : vector<1x10000x128xf32> to vector<10000x128xf32>
    %add3A = arith.addf %get3A_3, %get3A_8 : vector<10000x128xf32>
    %get3A_9 = arith.constant 0 : index
    %get3A_10 = arith.constant 0 : index
    %get3A_11 = vector.load %arg2[%get3A_9, %get3A_10] : memref<10000x1xf32, #tpu.memory_space<vmem>>, vector<10000x1xf32>
    %max3A = arith.constant 1.000000e+00 : f32
    %max3A_12 = vector.broadcast %max3A : f32 to vector<10000x1xf32>
    %max3A_13 = arith.maximumf %get3A_11, %max3A_12 : vector<10000x1xf32>
    %div3A = vector.broadcast %max3A_13 : vector<10000x1xf32> to vector<10000x128xf32>
    %div3A_14 = arith.divf %add3A, %div3A : vector<10000x128xf32>
    %get3A_15 = arith.constant 0 : index
    %get3A_16 = arith.constant 0 : index
    %get3A_17 = vector.load %arg3[%get3A_15, %get3A_16] : memref<10000x128xf32, #tpu.memory_space<vmem>>, vector<10000x128xf32>
    %get3A_18 = arith.constant 0 : index
    %get3A_19 = arith.constant 0 : index
    %get3A_20 = vector.load %arg4[%get3A_18, %get3A_19] : memref<128x128xf32, #tpu.memory_space<vmem>>, vector<128x128xf32>
    %dot_general3A = arith.constant dense<0.000000e+00> : vector<10000x128xf32>
    %dot_general3A_21 = tpu.matmul %div3A_14, %get3A_20, %dot_general3A {dimension_numbers = #tpu.dot_dimension_numbers<[1], [0], [0], [1], [0, 0, 1, 1], [], []>, transpose_lhs_hint = false} : vector<10000x128xf32>, vector<128x128xf32>, vector<10000x128xf32> -> vector<10000x128xf32>
    %get3A_22 = arith.constant 0 : index
    %get3A_23 = arith.constant 0 : index
    %get3A_24 = vector.load %arg5[%get3A_22, %get3A_23] : memref<1x128xf32, #tpu.memory_space<vmem>>, vector<1x128xf32>
    %add3A_25 = vector.broadcast %get3A_24 : vector<1x128xf32> to vector<10000x128xf32>
    %add3A_26 = arith.addf %dot_general3A_21, %add3A_25 : vector<10000x128xf32>
    %get3A_27 = arith.constant 0 : index
    %get3A_28 = arith.constant 0 : index
    %get3A_29 = vector.load %arg6[%get3A_27, %get3A_28] : memref<128x128xf32, #tpu.memory_space<vmem>>, vector<128x128xf32>
    %dot_general3A_30 = arith.constant dense<0.000000e+00> : vector<10000x128xf32>
    %dot_general3A_31 = tpu.matmul %get3A_17, %get3A_29, %dot_general3A_30 {dimension_numbers = #tpu.dot_dimension_numbers<[1], [0], [0], [1], [0, 0, 1, 1], [], []>, transpose_lhs_hint = false} : vector<10000x128xf32>, vector<128x128xf32>, vector<10000x128xf32> -> vector<10000x128xf32>
    %add3A_32 = arith.addf %add3A_26, %dot_general3A_31 : vector<10000x128xf32>
    %max3A_33 = arith.constant 0.000000e+00 : f32
    %max3A_34 = vector.broadcast %max3A_33 : f32 to vector<10000x128xf32>
    %max3A_35 = arith.maximumf %add3A_32, %max3A_34 : vector<10000x128xf32>
    %add3A_36 = arith.addf %max3A_35, %get3A_17 : vector<10000x128xf32>
    %get3A_37 = arith.constant 0 : index
    %get3A_38 = arith.constant 0 : index
    %get3A_39 = vector.load %arg7[%get3A_37, %get3A_38] : memref<128x1xf32, #tpu.memory_space<vmem>>, vector<128x1xf32>
    %dot_general3A_40 = arith.constant dense<0.000000e+00> : vector<10000x1xf32>
    %dot_general3A_41 = tpu.matmul %add3A_36, %get3A_39, %dot_general3A_40 {dimension_numbers = #tpu.dot_dimension_numbers<[1], [0], [0], [1], [0, 0, 1, 1], [], []>, transpose_lhs_hint = false} : vector<10000x128xf32>, vector<128x1xf32>, vector<10000x1xf32> -> vector<10000x1xf32>
    %get3A_42 = arith.constant 0 : index
    %get3A_43 = arith.constant 0 : index
    %get3A_44 = vector.load %arg8[%get3A_42, %get3A_43] : memref<1x1xf32, #tpu.memory_space<vmem>>, vector<1x1xf32>
    %add3A_45 = vector.broadcast %get3A_44 : vector<1x1xf32> to vector<10000x1xf32>
    %add3A_46 = arith.addf %dot_general3A_41, %add3A_45 : vector<10000x1xf32>
    %get3A_47 = arith.constant 0 : index
    %get3A_48 = arith.constant 0 : index
    %get3A_49 = vector.load %arg9[%get3A_47, %get3A_48] : memref<1x1xf32, #tpu.memory_space<vmem>>, vector<1x1xf32>
    %logistic3A = arith.negf %get3A_49 : vector<1x1xf32>
    %logistic3A_50 = math.exp %logistic3A : vector<1x1xf32>
    %logistic3A_51 = arith.constant 1.000000e+00 : f32
    %logistic3A_52 = vector.broadcast %logistic3A_51 : f32 to vector<1x1xf32>
    %logistic3A_53 = arith.addf %logistic3A_52, %logistic3A_50 : vector<1x1xf32>
    %logistic3A_54 = arith.divf %logistic3A_52, %logistic3A_53 : vector<1x1xf32>
    %sub3A = arith.constant 1.000000e+00 : f32
    %sub3A_55 = vector.broadcast %sub3A : f32 to vector<1x1xf32>
    %sub3A_56 = arith.subf %sub3A_55, %logistic3A_54 : vector<1x1xf32>
    %mul3A = vector.broadcast %sub3A_56 : vector<1x1xf32> to vector<10000x1xf32>
    %mul3A_57 = arith.mulf %mul3A, %add3A_46 : vector<10000x1xf32>
    %swap3A = arith.constant 0 : index
    %swap3A_58 = arith.constant 0 : index
    %swap3A_59 = vector.load %arg10[%swap3A, %swap3A_58] : memref<10000x1xf32, #tpu.memory_space<vmem>>, vector<10000x1xf32>
    tpu.vector_store %arg10[%swap3A, %swap3A_58], %mul3A_57 {strides = array<i32>} : memref<10000x1xf32, #tpu.memory_space<vmem>>, vector<10000x1xf32>,
    return
  }
  func.func @transform_0(%arg0: i32) -> (i32, i32, i32) {
    %c0_i32 = arith.constant 0 : i32
    %c0_i32_0 = arith.constant 0 : i32
    %c0_i32_1 = arith.constant 0 : i32
    %c0_i32_2 = arith.constant 0 : i32
    return %c0_i32, %c0_i32_0, %c0_i32_1 : i32, i32, i32
  }
  func.func @transform_1(%arg0: i32) -> (i32, i32) {
    %c0_i32 = arith.constant 0 : i32
    %c0_i32_0 = arith.constant 0 : i32
    %c0_i32_1 = arith.constant 0 : i32
    return %c0_i32, %c0_i32_0 : i32, i32
  }
  func.func @transform_2(%arg0: i32) -> (i32, i32) {
    %c0_i32 = arith.constant 0 : i32
    %c0_i32_0 = arith.constant 0 : i32
    %c0_i32_1 = arith.constant 0 : i32
    return %c0_i32, %c0_i32_0 : i32, i32
  }
  func.func @transform_3(%arg0: i32) -> (i32, i32) {
    %c0_i32 = arith.constant 0 : i32
    %c0_i32_0 = arith.constant 0 : i32
    %c0_i32_1 = arith.constant 0 : i32
    return %c0_i32, %c0_i32_0 : i32, i32
  }
  func.func @transform_4(%arg0: i32) -> (i32, i32) {
    %c0_i32 = arith.constant 0 : i32
    %c0_i32_0 = arith.constant 0 : i32
    %c0_i32_1 = arith.constant 0 : i32
    return %c0_i32, %c0_i32_0 : i32, i32
  }
  func.func @transform_5(%arg0: i32) -> (i32, i32) {
    %c0_i32 = arith.constant 0 : i32
    %c0_i32_0 = arith.constant 0 : i32
    %c0_i32_1 = arith.constant 0 : i32
    return %c0_i32, %c0_i32_0 : i32, i32
  }
  func.func @transform_6(%arg0: i32) -> (i32, i32) {
    %c0_i32 = arith.constant 0 : i32
    %c0_i32_0 = arith.constant 0 : i32
    %c0_i32_1 = arith.constant 0 : i32
    return %c0_i32, %c0_i32_0 : i32, i32
  }
  func.func @transform_7(%arg0: i32) -> (i32, i32) {
    %c0_i32 = arith.constant 0 : i32
    %c0_i32_0 = arith.constant 0 : i32
    %c0_i32_1 = arith.constant 0 : i32
    return %c0_i32, %c0_i32_0 : i32, i32
  }
  func.func @transform_8(%arg0: i32) -> (i32, i32) {
    %c0_i32 = arith.constant 0 : i32
    %c0_i32_0 = arith.constant 0 : i32
    %c0_i32_1 = arith.constant 0 : i32
    return %c0_i32, %c0_i32_0 : i32, i32
  }
  func.func @transform_9(%arg0: i32) -> (i32, i32) {
    %c0_i32 = arith.constant 0 : i32
    %c0_i32_0 = arith.constant 0 : i32
    %c0_i32_1 = arith.constant 0 : i32
    return %c0_i32, %c0_i32_0 : i32, i32
  }
}

</mosaic_0001>

<sc_bundles>
// kernel: kernel.4.cloned.1.call-start
scs
__scs_entry_jumppad:
0x0: {  	(pc) =	sbr.rel $0x88, $3  }
0x1: {  	(tag) =	ssettag $0x0;
	lr =	simm.s32 $0x1  }
0x2: {  	[smem:$0x3F98] =	sst lr;
	_ =	strace $0xD0000000  }
0x3: {  	_ = 	snop  }
0x4: {  	_ = 	snop  }
0x5: {  	_ = 	snop  }
0x6: {  	_ = 	snop  }
0x7: {  	_ = 	snop  }
__scs_overlays_trampoline_lowered:
0x8: {  	[smem:$0x3FA7] =	sst s0  }
0x9: {  	[smem:$0x3FA8] =	sst s1  }
0xa: {  	[smem:$0x3FA9] =	sst s2  }
0xb: {  	[smem:$0x3FAA] =	sst s3  }
0xc: {  	[smem:$0x3FAB] =	sst s4  }
0xd: {  	[smem:$0x3FAC] =	sst s5  }
0xe: {  	[smem:$0x3FAD] =	sst s6  }
0xf: {  	[smem:$0x3FAE] =	sst s7  }
0x10: {  	[smem:$0x3FAF] =	sst s8  }
0x11: {  	[smem:$0x3FB0] =	sst s9;
	s0 =	simm.s32 @!p0 $0x0  }
0x12: {  	s1 =	sld [smem:$0x3F96];
	s0 =	simm.s32 @p0 $0x1  }
0x13: {  	[smem:$0x3FB1] =	sst s0;
	s0 =	simm.s32 @!p1 $0x0  }
0x14: {  	s2 =	sld [smem:$0x3F95];
	s0 =	simm.s32 @p1 $0x1  }
0x15: {  	[smem:$0x3FB2] =	sst s0;
	s0 =	simm.s32 @!p2 $0x0  }
0x16: {  	s3 =	sld [smem:$0x3FDB];
	s0 =	simm.s32 @p2 $0x1  }
0x17: {  	s4 =	simm.s32 $0x1BF5;
	[smem:$0x3FB4] =	sst s0  }
0x18: {  	s0 =	sld [smem:$0x3F97];
	_ =	swait.ge [sflag:s4], $0x0  }
0x19: {  	s7 =	sld [smem:$0x3F98]  }
0x1a: {  	s8 =	sadd.s32 $0xFFFFE003, lr  }
0x1b: {  	s9 =	sadd.s32 $0xFFFFFEF7, lr;
	s5 =	simm.s32 $0xFFFFFFFF;
	p2 =	slt.u32 s8, $0xFFFFF086  }
0x1c: {  	p1 =	slt.u32 s9, $0xF7A;
	s5 =	simm.s32 @!p2 $0x0  }
0x1d: {  	s5 =	simm.s32 @p1 $0x1;
	p0 =	seq.s32 s7, s2  }
0x1e: {  	s7 =	smul.u32 @!p0 $0xF7A, s2;
	p2 =	seq.s32 @!p0 s5, $0x0  }
0x1f: {  	s9 =	smul.u32 $0xF7A, s1;
	s8 =	simm.s32 @!p0 $0x1BF5;
	p2 =	por !p2, p0  }
0x20: {  	[sflag:s8] =	ssyncset.s32 @!p0 $0xFFFFF086;
	s6 =	sadd.s32 @!p0 s3, s7;
	s7 =	simm.s32 @!p0 $0x108  }
0x21: {  	s3 =	sadd.s32 s3, s9;
	s6 =	sadd.s32 @!p0 $0x88, s6;
	s7 =	simm.s32 @p2 $0x1082  }
0x22: {  	[simem:s7], [sflag:s8] =	dma.local @!p0 [hbm:s6], $0xF7A  }
0x23: {  	s9 =	sor.u32 $0xD0000000, s2;
	s6 =	simm.s32 $0x108;
	_ =	swait.ge @!p0 [sflag:s8], $0x0  }
0x24: {  	s3 =	sadd.s32 $0x88, s3;
	s6 =	simm.s32 @!p1 $0x1082;
	[sflag:s4] =	ssyncset.s32 $0xFFFFF086  }
0x25: {  	[simem:s6], [sflag:s4] =	dma.local [hbm:s3], $0xF7A  }
0x26: {  	[smem:$0x3F98] =	sst s1;
	(tag) =	ssettag s2;
	_ =	strace s9  }
0x27: {  	s1 =	sld [smem:$0x3FA8]  }
0x28: {  	s2 =	sld [smem:$0x3FA9]  }
0x29: {  	s4 =	sld [smem:$0x3FAB]  }
0x2a: {  	p0 =	seq.s32 s5, $0x0;
	s5 =	sld [smem:$0x3FAC]  }
0x2b: {  	s6 =	sld [smem:$0x3FAD]  }
0x2c: {  	s7 =	sld [smem:$0x3FAE]  }
0x2d: {  	s3 =	simm.s32 $0x108;
	s8 =	sld [smem:$0x3FAF]  }
0x2e: {  	s3 =	simm.s32 @!p0 $0x1082;
	s9 =	sld [smem:$0x3FB0]  }
0x2f: {  	lr =	sadd.s32 s0, s3;
	s0 =	sld [smem:$0x3FA7]  }
0x30: {  	s3 =	sld [smem:$0x3FAA]  }
0x31: {  	[smem:$0x3FB3] =	sst s10  }
0x32: {  	s10 =	sld [smem:$0x3FB1];
	_ =	sdelay $0x3  }
0x33: {  	p0 =	seq.s32 s10, $0x1;
	s10 =	sld [smem:$0x3FB3];
	_ =	sdelay $0x3  }
0x34: {  	[smem:$0x3FB3] =	sst s10  }
0x35: {  	s10 =	sld [smem:$0x3FB2];
	_ =	sdelay $0x3  }
0x36: {  	p1 =	seq.s32 s10, $0x1;
	s10 =	sld [smem:$0x3FB3];
	_ =	sdelay $0x3  }
0x37: {  	[smem:$0x3FB3] =	sst s10  }
0x38: {  	s10 =	sld [smem:$0x3FB4]  }
0x39: {  	_ = 	snop;
	(pc) =	sbr.ind lr, $3  }
0x3a: {  	_ = 	snop  }
0x3b: {  	_ = 	snop  }
0x3c: {  	p2 =	seq.s32 s10, $0x1;
	s10 =	sld [smem:$0x3FB3]  }
0x3d: {  	_ =	shalt  }
0x3e: {  	_ =	shalt  }
0x3f: {  	_ =	shalt  }
0x40: {  	_ =	shalt  }
0x41: {  	_ =	shalt  }
0x42: {  	_ =	shalt  }
0x43: {  	_ =	shalt  }
0x44: {  	_ =	shalt  }
0x45: {  	_ =	shalt  }
0x46: {  	_ =	shalt  }
0x47: {  	_ =	shalt  }
0x48: {  	_ =	shalt  }
0x49: {  	_ =	shalt  }
0x4a: {  	_ =	shalt  }
0x4b: {  	_ =	shalt  }
0x4c: {  	_ =	shalt  }
0x4d: {  	_ =	shalt  }
0x4e: {  	_ =	shalt  }
0x4f: {  	_ =	shalt  }
0x50: {  	_ =	shalt  }
0x51: {  	_ =	shalt  }
0x52: {  	_ =	shalt  }
0x53: {  	_ =	shalt  }
0x54: {  	_ =	shalt  }
0x55: {  	_ =	shalt  }
0x56: {  	_ =	shalt  }
0x57: {  	_ =	shalt  }
0x58: {  	_ =	shalt  }
0x59: {  	_ =	shalt  }
0x5a: {  	_ =	shalt  }
0x5b: {  	_ =	shalt  }
0x5c: {  	_ =	shalt  }
0x5d: {  	_ =	shalt  }
0x5e: {  	_ =	shalt  }
0x5f: {  	_ =	shalt  }
0x60: {  	_ =	shalt  }
0x61: {  	_ =	shalt  }
0x62: {  	_ =	shalt  }
0x63: {  	_ =	shalt  }
0x64: {  	_ =	shalt  }
0x65: {  	_ =	shalt  }
0x66: {  	_ =	shalt  }
0x67: {  	_ =	shalt  }
0x68: {  	_ =	shalt  }
0x69: {  	_ =	shalt  }
0x6a: {  	_ =	shalt  }
0x6b: {  	_ =	shalt  }
0x6c: {  	_ =	shalt  }
0x6d: {  	_ =	shalt  }
0x6e: {  	_ =	shalt  }
0x6f: {  	_ =	shalt  }
0x70: {  	_ =	shalt  }
0x71: {  	_ =	shalt  }
0x72: {  	_ =	shalt  }
0x73: {  	_ =	shalt  }
0x74: {  	_ =	shalt  }
0x75: {  	_ =	shalt  }
0x76: {  	_ =	shalt  }
0x77: {  	_ =	shalt  }
0x78: {  	_ =	shalt  }
0x79: {  	_ =	shalt  }
0x7a: {  	_ =	shalt  }
0x7b: {  	_ =	shalt  }
0x7c: {  	_ =	shalt  }
0x7d: {  	_ =	shalt  }
0x7e: {  	_ =	shalt  }
0x7f: {  	_ =	shalt  }
0x80: {  	_ =	shalt  }
0x81: {  	_ =	shalt  }
0x82: {  	_ =	shalt  }
0x83: {  	_ =	shalt  }
0x84: {  	_ =	shalt  }
0x85: {  	_ =	shalt  }
0x86: {  	_ =	shalt  }
0x87: {  	_ =	shalt  }
.Lfunc_end0:
.L_simem_size_0:
called_computation_lowered:
.L_overlay_start_0:
0x88: {  	s2 =	sld [smem:$0x3FD9]  }
0x89: {  	s3 =	sld [smem:$0x3FFE];
	_ =	sdelay $0x1  }
0x8a: {  	s1 =	srdreg.scid  }
0x8b: {  	s0 =	sand.u32 $0x1, s1  }
0x8c: {  	s17 =	sshll.u32 s0, $0xA;
	s2 =	sadd.s32 s3, s2  }
0x8d: {  	s2 =	sadd.s32 s2, s17  }
0x8e: {  	[smem:$0x3FBF] =	sst s2  }
0x8f: {  	_ = 	snop  }
0x90: {  	s2 =	sld [smem:$0x3FC9]  }
0x91: {  	s18 =	sld [smem:$0x3FD0];
	(tm) =	ssettm $0x1  }
0x92: {  	s4 =	sld [smem:$0x3FFB];
	_ =	sdelay $0x3  }
0x93: {  	_ =	strace s4  }
0x94: {  	s4 =	sld [smem:$0x3FFC];
	_ =	sdelay $0x3  }
0x95: {  	_ =	strace s4  }
0x96: {  	s4 =	sld [smem:$0x3FFD];
	_ =	sdelay $0x3  }
0x97: {  	_ =	strace s4  }
0x98: {  	_ =	strace $0x8FFFFFFF  }
0x99: {  	s19 =	sld [smem:$0x3FDB];
	_ =	sdelay $0x1  }
0x9a: {  	s5 =	simm.s32 $_scs_section_size  }
0x9b: {  	s6 =	simm.s32 $_size__tile_overlayer_lowered;
	s7 =	simm.s32 $_tile_overlayer_lowered  }
0x9c: {  	s22 =	simm.s32 $0x1BFF;
	s21 =	sshll.u32 s7, $0x1;
	s4 =	sadd.s32 s5, s19  }
0x9d: {  	s8 =	simm.s32 $0x0;
	s20 =	sshll.u32 s6, $0x1;
	s6 =	sadd.s32 s21, s4  }
0x9e: {  	[timem:s8], [sflag:s22] =	dma.local [hbm:s6], s20  }
0x9f: {  	_ =	swait.ge [sflag:s22], s20  }
0xa0: {  	s5 =	ssub.s32 $0x0, s20;
	[sflag:s22] =	ssyncset.done $0x0  }
0xa1: {  	[sflag:s22] =	ssyncadd.s32 s5;
	_ =	sdelay $0x1  }
0xa2: {  	s23 =	simm.s32 $0x1B8B  }
0xa3: {  	_ =	swait.ge [sflag:s23], $0x1  }
0xa4: {  	[sflag:s23] =	ssyncset.done $0x0  }
0xa5: {  	s25 =	simm.s32 $0x1B8E;
	s24 =	sld [smem:$0x3FFE];
	[sflag:s23] =	ssyncadd.s32 $0xFFFFFFFF  }
0xa6: {  	s26 =	simm.s32 $execute0_lowered;
	[smem:$0x3FD2] =	sst s25  }
0xa7: {  	s6 =	sshll.u32 s26, $0x1;
	_ =	strace $0x80000046;
	[dreg:$0x1] =	wrdreg $0xFFFFFFFF  }
0xa8: {  	s28 =	simm.s32 $_size_execute0_lowered;
	s4 =	sadd.s32 s4, s6;
	[dreg:$0x0] =	wrdreg $0x0  }
0xa9: {  	s6 =	sshll.u32 s28, $0x1;
	[dreg:$0x2] =	wrdreg s4  }
0xaa: {  	[dreg:$0x3] =	wrdreg s6  }
0xab: {  	[dreg:$0x4] =	wrdreg $0xC0  }
0xac: {  	_ =	task [dreg:s8], $0x5FFFF  }
0xad: {  	[dreg:$0x1] =	wrdreg $0xFFFFFFFF  }
0xae: {  	[dreg:$0x0] =	wrdreg $0x60  }
0xaf: {  	[dreg:$0x2] =	wrdreg s2  }
0xb0: {  	[dreg:$0x3] =	wrdreg s24  }
0xb1: {  	[dreg:$0x4] =	wrdreg s18  }
0xb2: {  	[dreg:$0x5] =	wrdreg $0x0  }
0xb3: {  	[dreg:$0x6] =	wrdreg $0x140000  }
0xb4: {  	[dreg:$0x7] =	wrdreg $0x9  }
0xb5: {  	_ =	task.clear_ibuf [dreg:s8], $0x8FFFF;
	_ =	strace $0x90000046  }
0xb6: {  	s29 =	simm.s32 $0x9;
	_ =	strace $0x80000048  }
0xb7: {  	_ =	swait.ge [sflag:s29], $0x1  }
0xb8: {  	[sflag:s29] =	ssyncadd.s32 $0xFFFFFFFF  }
0xb9: {  	_ =	strace $0x90000048  }
0xba: {  	_ =	sfence  }
0xbb: {  	s30 =	sld [smem:$0x0];
	_ =	sdelay $0x2  }
0xbc: {  	s31 =	sshll.u32 s1, $0xD;
	s1 =	sshrl.u32 s1, $0x2  }
0xbd: {  	s3 =	sand.u32 $0x4000, s31;
	s1 =	sadd.s32 s1, s30  }
0xbe: {  	s0 =	sor.u32 s3, s0;
	s1 =	sshll.u32 s1, $0x11  }
0xbf: {  	s0 =	sor.u32 s1, s0  }
0xc0: {  	s0 =	sadd.s32 $0x8F2B, s0  }
0xc1: {  	[sflag:s0] =	ssyncadd.remote.s32 $0x1  }
0xc2: {  	_ =	sfence.sel $0xFFFF  }
0xc3: {  	[dreg:$0x0] =	wrdreg $0xFFFFFFFF;
	(pc) =	sbr.abs _section_cstart, $3  }
0xc4: {  	[dreg:$0x1] =	wrdreg $0xFFFFFFFF  }
0xc5: {  	_ =	task.clear_ibuf [dreg:s8], $0x2FFFF;
	_ =	strace $0x9FFFFFFF  }
0xc6: {  	(tm) =	ssettm $0x7FFFFFFF  }
0xc7: {  	_ =	shalt  }
tec
execute0_lowered:
.L_overlay_start_1:
0x0: {  	(tag) =	ssettag $0x1  }
0x1: {  	s1 =	rddreg [dreg:$0x0]  }
0x2: {  	s0 =	rddreg [dreg:$0x1]  }
0x3: {  	s2 =	srdreg.scid;
	s4 =	rddreg [dreg:$0x3]  }
0x4: {  	s12 =	stileid.u32;
	s5 =	rddreg [dreg:$0x4];
	s6 =	simm.s32 $0x0  }
0x5: {  	s13 =	simm.s32 $0xB;
	s14 =	simm.s32 $0x16A80;
	s28 =	simm.s32 $0x1AD00  }
0x6: {  	s29 =	simm.s32 $0x16C00;
	s30 =	simm.s32 $0x16C80;
	s31 =	simm.s32 $0x5  }
0x7: {  	s15 =	simm.s32 $0x0;
	s2 =	sand.u32 $0x1, s2;
	s18 =	smul.u32 $0x50000, s12  }
0x8: {  	s3 =	sshll.u32 s12, $0x1;
	[smem:$0x7FF] =	sst s6;
	s10 =	smul.u32 $0xA00, s12  }
0x9: {  	s8 =	sadd.s32 $0x14C00, s0;
	s17 =	sadd.s32 $0x17400, s0;
	s23 =	smul.u32 $0x2800, s12  }
0xa: {  	s11 =	smul.u32 $0xA0, s12;
	s24 =	sshll.u32 s12, $0x6;
	s12 =	simm.s32 $0x8  }
0xb: {  	s3 =	sor.u32 s2, s3;
	_ =	strace $0x80000047;
	[dreg:$0x6] =	wrdreg s8  }
0xc: {  	s7 =	smul.u32 $0x28000, s2;
	[dreg:$0x7] =	wrdreg s17;
	s9 =	sshll.u32 s2, $0x4  }
0xd: {  	s2 =	ssub.s32 $0x2, s2;
	s16 =	sor.u32 $0x1C0B, s24;
	s3 =	smul.u32 $0x500, s3  }
0xe: {  	s19 =	sshrl.u32 s2, $0x1;
	s8 =	sshrl.u32 s18, $0x2;
	s20 =	sshrl.u32 s10, $0x2  }
0xf: {  	s18 =	simm.s32 $0x16B00;
	[dreg:$0xa] =	wrdreg s16;
	s7 =	sadd.s32 s7, s0  }
0x10: {  	s2 =	ssub.s32 s2, s19;
	s8 =	sadd.s32 s8, s4;
	s3 =	sadd.s32 s3, s0  }
0x11: {  	s0 =	sadd.s32 s9, s0;
	s9 =	sadd.s32 s20, s5;
	s22 =	sadd.s32 $0x18000, s7  }
0x12: {  	s2 =	smax.u32 s2, $0x1;
	s17 =	sshrl.u32 s8, $0x3;
	s20 =	simm.s32 $0x16B80  }
0x13: {  	s7 =	simm.s32 $0xA;
	s8 =	simm.s32 $0x3;
	s21 =	sadd.s32 $0xAC00, s3  }
0x14: {  	s10 =	sadd.s32 $0xC00, s3;
	s0 =	sadd.s32 $0x17600, s0;
	[dreg:$0x9] =	wrdreg s2  }
0x15: {  	s19 =	sshrl.u32 s9, $0x3;
	s26 =	sadd.s32 s23, s22;
	[dreg:$0xb] =	wrdreg s17  }
0x16: {  	s23 =	simm.s32 $0x7D;
	s3 =	simm.s32 $0x6;
	[dreg:$0x8] =	wrdreg s21  }
0x17: {  	s2 =	simm.s32 $0x9;
	s9 =	simm.s32 $0x4;
	[dreg:$0xe] =	wrdreg s26  }
0x18: {  	s25 =	sadd.s32 $0x10, s10;
	s21 =	simm.s32 $0x1;
	[dreg:$0xc] =	wrdreg s19  }
0x19: {  	s0 =	sadd.s32 s11, s0;
	s26 =	simm.s32 $0x2;
	[dreg:$0xd] =	wrdreg s25  }
0x1a: {  	[dreg:$0xf] =	wrdreg s0;
	s25 =	simm.s32 $0x16D00;
	s0 =	simm.s32 $0x7  }
.LBB2_1:
0x1b: {  	[dreg:$0x10] =	wrdreg s15  }
0x1c: {  	s11 =	rddreg [dreg:$0x8];
	s24 =	simm.s32 $0x14280  }
0x1d: {  	[tilespmem:s24], [sflag:$0xB] =	stream.linear.gather [hbm4b:s11+s6], $0x2800, $0x38;
	[tilespmem:$0x1ED00] =	vst v63  }
0x1e: {  	_ =	swait.ge [sflag:s13], $0x2800  }
0x1f: {  	[sflag:s13] =	ssyncset.done $0x0  }
0x20: {  	s15 =	rddreg [dreg:$0x7];
	[sflag:s13] =	ssyncadd.s32 $0xFFFFD800  }
0x21: {  	[tilespmem:s14], [sflag:$0xB] =	stream.linear.gather [hbm4b:s15+s6], $0x80, $0x38;
	[tilespmem:$0x1ED00] =	vst v63  }
0x22: {  	_ =	swait.ge [sflag:s13], $0x80  }
0x23: {  	[sflag:s13] =	ssyncset.done $0x0  }
0x24: {  	s22 =	rddreg [dreg:$0x6];
	[sflag:s13] =	ssyncadd.s32 $0xFFFFFF80  }
0x25: {  	[spmem:s17], [sflag:s16] =	dma.local [hbm:s22], $0x2800  }
0x26: {  	_ =	swait.ge [sflag:s13], $0x2800  }
0x27: {  	[sflag:s13] =	ssyncset.done $0x0  }
0x28: {  	[sflag:s13] =	ssyncadd.s32 $0xFFFFD800  }
0x29: {  	s24 =	rddreg [dreg:$0x2]  }
0x2a: {  	[spmem:s19], [sflag:s16] =	dma.local [hbm:s24], $0x50  }
0x2b: {  	_ =	swait.ge [sflag:s13], $0x50  }
0x2c: {  	[sflag:s13] =	ssyncset.done $0x0  }
0x2d: {  	[sflag:s13] =	ssyncadd.s32 $0xFFFFFFB0  }
0x2e: {  	[bflag:$0x0] =	sbarrier.arrive $0xFFFF  }
0x2f: {  	[tilespmem:s18], [sflag:$0x1] =	stream.linear.gather [hbm4b:s10+s6], $0x80, $0x38;
	[tilespmem:$0x1ED00] =	vst v63  }
0x30: {  	s15 =	rddreg [dreg:$0xd]  }
0x31: {  	[tilespmem:s20], [sflag:$0x2] =	stream.linear.gather [hbm4b:s15+s6], $0x80, $0x38;
	[tilespmem:$0x1ED00] =	vst v63  }
0x32: {  	_ =	swait.ge [sflag:s21], $0x80  }
0x33: {  	[sflag:s21] =	ssyncset.done $0x0  }
0x34: {  	[sflag:s21] =	ssyncadd.s32 $0xFFFFFF80  }
0x35: {  	[tilespmem:s25], [sflag:$0x5] =	stream.indirect.gather [hbm4b:s1+s23], $0x80, s18, s23, $0xb8;
	[tilespmem:$0x1ED00] =	vst v63  }
0x36: {  	s22 =	sand.u32 $0x780, s6;
	_ =	swait.ge [sflag:s26], $0x80  }
0x37: {  	s22 =	sadd.s32 s10, s22;
	s24 =	simm.s32 $0x20;
	[sflag:s26] =	ssyncset.done $0x0  }
0x38: {  	s16 =	sand.u32 $0x40, s6;
	s24 =	sand.u32 $0x60, s24;
	[sflag:s26] =	ssyncadd.s32 $0xFFFFFF80  }
0x39: {  	[tilespmem:s28], [sflag:$0x6] =	stream.indirect.gather [hbm4b:s1+s23], $0x80, s20, s23, $0xb8;
	[tilespmem:$0x1ED00] =	vst v63  }
0x3a: {  	s19 =	sadd.s32 s16, s22;
	s24 =	sadd.s32 s24, s22  }
0x3b: {  	[tilespmem:s29], [sflag:$0x3] =	stream.linear.gather [hbm4b:s24+s6], $0x80, $0x38;
	[tilespmem:$0x1ED00] =	vst v63  }
0x3c: {  	s19 =	sadd.s32 $0x30, s19  }
0x3d: {  	[tilespmem:s30], [sflag:$0x4] =	stream.linear.gather [hbm4b:s19+s6], $0x80, $0x38;
	[tilespmem:$0x1ED00] =	vst v63  }
0x3e: {  	_ =	swait.ge [sflag:s31], $0x3E80  }
0x3f: {  	[sflag:s31] =	ssyncset.done $0x0  }
0x40: {  	s17 =	simm.s32 $0x14280;
	[sflag:s31] =	ssyncadd.s32 $0xFFFFC180  }
0x41: {  	[spmem:s4] =	stream.indirect.scatter.add.f32 [tilespmem:s25], [sflag:$0x7], $0x80, s17, s23, $0xb8;
	[tilespmem:$0x1ED00] =	vst v63  }
0x42: {  	_ = 	snop  }
0x43: {  	[spmem:s5] =	stream.indirect.scatter.add.f32 [tilespmem:s14], [sflag:$0x9], $0x1, s17, s23, $0xb8;
	[tilespmem:$0x1ED00] =	vst v63  }
0x44: {  	_ =	swait.ge [sflag:s3], $0x3E80  }
0x45: {  	[sflag:s3] =	ssyncset.done $0x0  }
0x46: {  	s22 =	simm.s32 $0x14300;
	[sflag:s3] =	ssyncadd.s32 $0xFFFFC180  }
0x47: {  	[spmem:s4] =	stream.indirect.scatter.add.f32 [tilespmem:s28], [sflag:$0x8], $0x80, s22, s23, $0xb8;
	[tilespmem:$0x1ED00] =	vst v63  }
0x48: {  	_ = 	snop  }
0x49: {  	[spmem:s5] =	stream.indirect.scatter.add.f32 [tilespmem:s14], [sflag:$0xA], $0x1, s22, s23, $0xb8;
	[tilespmem:$0x1ED00] =	vst v63  }
0x4a: {  	_ =	swait.ge [sflag:s0], $0x3E80  }
0x4b: {  	[sflag:s0] =	ssyncset.done $0x0  }
0x4c: {  	[sflag:s0] =	ssyncadd.s32 $0xFFFFC180  }
0x4d: {  	_ =	swait.ge [sflag:s2], $0x7D  }
0x4e: {  	[sflag:s2] =	ssyncset.done $0x0  }
0x4f: {  	[sflag:s2] =	ssyncadd.s32 $0xFFFFFF83  }
0x50: {  	_ =	swait.ge [sflag:s12], $0x3E80  }
0x51: {  	[sflag:s12] =	ssyncset.done $0x0  }
0x52: {  	[sflag:s12] =	ssyncadd.s32 $0xFFFFC180  }
0x53: {  	_ =	swait.ge [sflag:s7], $0x7D  }
0x54: {  	[sflag:s7] =	ssyncset.done $0x0  }
0x55: {  	[sflag:s7] =	ssyncadd.s32 $0xFFFFFF83  }
0x56: {  	_ =	swait.ge [sflag:s8], $0x80  }
0x57: {  	[sflag:s8] =	ssyncset.done $0x0  }
0x58: {  	[sflag:s8] =	ssyncadd.s32 $0xFFFFFF80  }
0x59: {  	[tilespmem:s25], [sflag:$0x5] =	stream.indirect.gather [hbm4b:s1+s23], $0x80, s29, s23, $0xb8;
	[tilespmem:$0x1ED00] =	vst v63  }
0x5a: {  	_ =	swait.ge [sflag:s9], $0x80  }
0x5b: {  	p0 =	por $0x0, $0x0;
	[sflag:s9] =	ssyncset.done $0x0  }
0x5c: {  	s19 =	sadd.s32 @!p0 $0x0, s10;
	[sflag:s9] =	ssyncadd.s32 $0xFFFFFF80  }
0x5d: {  	[tilespmem:s28], [sflag:$0x6] =	stream.indirect.gather [hbm4b:s1+s23], $0x80, s30, s23, $0xb8;
	[tilespmem:$0x1ED00] =	vst v63  }
0x5e: {  	s16 =	simm.s32 @!p0 $0x0;
	s24 =	simm.s32 @!p0 $0x16B00;
	s22 =	sadd.s32 @!p0 $0x40, s19  }
0x5f: {  	[tilespmem:s24], [sflag:$0x1] =	stream.linear.gather @!p0 [hbm4b:s22+s16], $0x80, $0x38;
	[tilespmem:$0x1ED00] =	vst v63  }
0x60: {  	s19 =	sadd.s32 @!p0 $0x50, s19;
	s22 =	simm.s32 @!p0 $0x16B80  }
0x61: {  	[tilespmem:s22], [sflag:$0x2] =	stream.linear.gather @!p0 [hbm4b:s19+s16], $0x80, $0x38;
	[tilespmem:$0x1ED00] =	vst v63  }
0x62: {  	_ =	swait.ge [sflag:s31], $0x3E80  }
0x63: {  	[sflag:s31] =	ssyncset.done $0x0  }
0x64: {  	s24 =	simm.s32 $0x14380;
	[sflag:s31] =	ssyncadd.s32 $0xFFFFC180  }
0x65: {  	[spmem:s4] =	stream.indirect.scatter.add.f32 [tilespmem:s25], [sflag:$0x7], $0x80, s24, s23, $0xb8;
	[tilespmem:$0x1ED00] =	vst v63  }
0x66: {  	_ = 	snop  }
0x67: {  	[spmem:s5] =	stream.indirect.scatter.add.f32 [tilespmem:s14], [sflag:$0x9], $0x1, s24, s23, $0xb8;
	[tilespmem:$0x1ED00] =	vst v63  }
0x68: {  	_ =	swait.ge [sflag:s3], $0x3E80  }
0x69: {  	[sflag:s3] =	ssyncset.done $0x0  }
0x6a: {  	s19 =	simm.s32 $0x14400;
	[sflag:s3] =	ssyncadd.s32 $0xFFFFC180  }
0x6b: {  	[spmem:s4] =	stream.indirect.scatter.add.f32 [tilespmem:s28], [sflag:$0x8], $0x80, s19, s23, $0xb8;
	[tilespmem:$0x1ED00] =	vst v63  }
0x6c: {  	_ = 	snop  }
0x6d: {  	[spmem:s5] =	stream.indirect.scatter.add.f32 [tilespmem:s14], [sflag:$0xA], $0x1, s19, s23, $0xb8;
	[tilespmem:$0x1ED00] =	vst v63  }
0x6e: {  	_ =	swait.ge [sflag:s0], $0x3E80  }
0x6f: {  	[sflag:s0] =	ssyncset.done $0x0  }
0x70: {  	[sflag:s0] =	ssyncadd.s32 $0xFFFFC180  }
0x71: {  	_ =	swait.ge [sflag:s2], $0x7D  }
0x72: {  	[sflag:s2] =	ssyncset.done $0x0  }
0x73: {  	[sflag:s2] =	ssyncadd.s32 $0xFFFFFF83  }
0x74: {  	_ =	swait.ge [sflag:s12], $0x3E80  }
0x75: {  	[sflag:s12] =	ssyncset.done $0x0  }
0x76: {  	s22 =	simm.s32 $0x40;
	[sflag:s12] =	ssyncadd.s32 $0xFFFFC180  }
.LBB2_2:
0x77: {  	_ =	swait.ge [sflag:s7], $0x7D  }
0x78: {  	s19 =	sadd.s32 $0x200, s19;
	s24 =	smov.u32 s22;
	s22 =	sadd.s32 $0x40, s22  }
0x79: {  	p0 =	sne.s32 s22, $0x500;
	[sflag:s7] =	ssyncset.done $0x0  }
0x7a: {  	[sflag:s7] =	ssyncadd.s32 $0xFFFFFF83  }
0x7b: {  	_ =	swait.ge [sflag:s21], $0x80  }
0x7c: {  	[sflag:s21] =	ssyncset.done $0x0  }
0x7d: {  	s16 =	sand.u32 $0x40, s24;
	[sflag:s21] =	ssyncadd.s32 $0xFFFFFF80  }
0x7e: {  	[tilespmem:s25], [sflag:$0x5] =	stream.indirect.gather [hbm4b:s1+s23], $0x80, s18, s23, $0xb8;
	[tilespmem:$0x1ED00] =	vst v63  }
0x7f: {  	s17 =	sand.u32 $0x780, s24;
	s15 =	sadd.s32 $0x20, s24;
	_ =	swait.ge [sflag:s26], $0x80  }
0x80: {  	s15 =	sand.u32 $0x60, s15;
	s17 =	sadd.s32 s10, s17;
	[sflag:s26] =	ssyncset.done $0x0  }
0x81: {  	s15 =	sadd.s32 s15, s17;
	s16 =	sadd.s32 s16, s17;
	[sflag:s26] =	ssyncadd.s32 $0xFFFFFF80  }
0x82: {  	[tilespmem:s28], [sflag:$0x6] =	stream.indirect.gather [hbm4b:s1+s23], $0x80, s20, s23, $0xb8;
	[tilespmem:$0x1ED00] =	vst v63  }
0x83: {  	_ = 	snop  }
0x84: {  	[tilespmem:s29], [sflag:$0x3] =	stream.linear.gather [hbm4b:s15+s6], $0x80, $0x38;
	[tilespmem:$0x1ED00] =	vst v63  }
0x85: {  	s15 =	sadd.s32 $0x30, s16  }
0x86: {  	[tilespmem:s30], [sflag:$0x4] =	stream.linear.gather [hbm4b:s15+s6], $0x80, $0x38;
	[tilespmem:$0x1ED00] =	vst v63  }
0x87: {  	s15 =	sadd.s32 $0xFFFFFE80, s19;
	_ =	swait.ge [sflag:s31], $0x3E80  }
0x88: {  	[sflag:s31] =	ssyncset.done $0x0  }
0x89: {  	[sflag:s31] =	ssyncadd.s32 $0xFFFFC180  }
0x8a: {  	[spmem:s4] =	stream.indirect.scatter.add.f32 [tilespmem:s25], [sflag:$0x7], $0x80, s15, s23, $0xb8;
	[tilespmem:$0x1ED00] =	vst v63  }
0x8b: {  	_ = 	snop  }
0x8c: {  	[spmem:s5] =	stream.indirect.scatter.add.f32 [tilespmem:s14], [sflag:$0x9], $0x1, s15, s23, $0xb8;
	[tilespmem:$0x1ED00] =	vst v63  }
0x8d: {  	s15 =	sadd.s32 $0xFFFFFF00, s19;
	_ =	swait.ge [sflag:s3], $0x3E80  }
0x8e: {  	[sflag:s3] =	ssyncset.done $0x0  }
0x8f: {  	[sflag:s3] =	ssyncadd.s32 $0xFFFFC180  }
0x90: {  	[spmem:s4] =	stream.indirect.scatter.add.f32 [tilespmem:s28], [sflag:$0x8], $0x80, s15, s23, $0xb8;
	[tilespmem:$0x1ED00] =	vst v63  }
0x91: {  	_ = 	snop  }
0x92: {  	[spmem:s5] =	stream.indirect.scatter.add.f32 [tilespmem:s14], [sflag:$0xA], $0x1, s15, s23, $0xb8;
	[tilespmem:$0x1ED00] =	vst v63  }
0x93: {  	_ =	swait.ge [sflag:s0], $0x3E80  }
0x94: {  	[sflag:s0] =	ssyncset.done $0x0  }
0x95: {  	[sflag:s0] =	ssyncadd.s32 $0xFFFFC180  }
0x96: {  	_ =	swait.ge [sflag:s2], $0x7D  }
0x97: {  	[sflag:s2] =	ssyncset.done $0x0  }
0x98: {  	[sflag:s2] =	ssyncadd.s32 $0xFFFFFF83  }
0x99: {  	_ =	swait.ge [sflag:s12], $0x3E80  }
0x9a: {  	[sflag:s12] =	ssyncset.done $0x0  }
0x9b: {  	[sflag:s12] =	ssyncadd.s32 $0xFFFFC180  }
0x9c: {  	_ =	swait.ge [sflag:s7], $0x7D  }
0x9d: {  	[sflag:s7] =	ssyncset.done $0x0  }
0x9e: {  	[sflag:s7] =	ssyncadd.s32 $0xFFFFFF83  }
0x9f: {  	_ =	swait.ge [sflag:s8], $0x80  }
0xa0: {  	[sflag:s8] =	ssyncset.done $0x0  }
0xa1: {  	[sflag:s8] =	ssyncadd.s32 $0xFFFFFF80  }
0xa2: {  	[tilespmem:s25], [sflag:$0x5] =	stream.indirect.gather [hbm4b:s1+s23], $0x80, s29, s23, $0xb8;
	[tilespmem:$0x1ED00] =	vst v63  }
0xa3: {  	p1 =	seq.s32 s24, $0x4C0;
	_ =	swait.ge [sflag:s9], $0x80  }
0xa4: {  	s16 =	simm.s32 @!p1 $0x16B80;
	s15 =	sadd.s32 @!p1 s24, s10;
	[sflag:s9] =	ssyncset.done $0x0  }
0xa5: {  	s24 =	simm.s32 @!p1 $0x16B00;
	s17 =	sadd.s32 @!p1 $0x40, s15;
	[sflag:s9] =	ssyncadd.s32 $0xFFFFFF80  }
0xa6: {  	[tilespmem:s28], [sflag:$0x6] =	stream.indirect.gather [hbm4b:s1+s23], $0x80, s30, s23, $0xb8;
	[tilespmem:$0x1ED00] =	vst v63  }
0xa7: {  	s11 =	simm.s32 @!p1 $0x0;
	s15 =	sadd.s32 @!p1 $0x50, s15  }
0xa8: {  	[tilespmem:s24], [sflag:$0x1] =	stream.linear.gather @!p1 [hbm4b:s17+s11], $0x80, $0x38;
	[tilespmem:$0x1ED00] =	vst v63  }
0xa9: {  	_ = 	snop  }
0xaa: {  	[tilespmem:s16], [sflag:$0x2] =	stream.linear.gather @!p1 [hbm4b:s15+s11], $0x80, $0x38;
	[tilespmem:$0x1ED00] =	vst v63  }
0xab: {  	_ =	swait.ge [sflag:s31], $0x3E80  }
0xac: {  	s11 =	sadd.s32 $0xFFFFFF80, s19;
	[sflag:s31] =	ssyncset.done $0x0  }
0xad: {  	[sflag:s31] =	ssyncadd.s32 $0xFFFFC180  }
0xae: {  	[spmem:s4] =	stream.indirect.scatter.add.f32 [tilespmem:s25], [sflag:$0x7], $0x80, s11, s23, $0xb8;
	[tilespmem:$0x1ED00] =	vst v63  }
0xaf: {  	_ = 	snop  }
0xb0: {  	[spmem:s5] =	stream.indirect.scatter.add.f32 [tilespmem:s14], [sflag:$0x9], $0x1, s11, s23, $0xb8;
	[tilespmem:$0x1ED00] =	vst v63  }
0xb1: {  	_ =	swait.ge [sflag:s3], $0x3E80  }
0xb2: {  	[sflag:s3] =	ssyncset.done $0x0  }
0xb3: {  	[sflag:s3] =	ssyncadd.s32 $0xFFFFC180  }
0xb4: {  	[spmem:s4] =	stream.indirect.scatter.add.f32 [tilespmem:s28], [sflag:$0x8], $0x80, s19, s23, $0xb8;
	[tilespmem:$0x1ED00] =	vst v63  }
0xb5: {  	_ = 	snop  }
0xb6: {  	[spmem:s5] =	stream.indirect.scatter.add.f32 [tilespmem:s14], [sflag:$0xA], $0x1, s19, s23, $0xb8;
	[tilespmem:$0x1ED00] =	vst v63  }
0xb7: {  	_ =	swait.ge [sflag:s0], $0x3E80  }
0xb8: {  	[sflag:s0] =	ssyncset.done $0x0  }
0xb9: {  	[sflag:s0] =	ssyncadd.s32 $0xFFFFC180  }
0xba: {  	_ =	swait.ge [sflag:s2], $0x7D  }
.Ltmp0:
0xbb: {  	[sflag:s2] =	ssyncset.done $0x0;
	(pc) =	sbr.rel @p0 .LBB2_2-.Ltmp0, $4  }
0xbc: {  	[sflag:s2] =	ssyncadd.s32 $0xFFFFFF83  }
0xbd: {  	_ =	swait.ge [sflag:s12], $0x3E80  }
0xbe: {  	[sflag:s12] =	ssyncset.done $0x0  }
0xbf: {  	[sflag:s12] =	ssyncadd.s32 $0xFFFFC180  }
0xc0: {  	_ =	swait.ge [sflag:s7], $0x7D  }
0xc1: {  	[sflag:s7] =	ssyncset.done $0x0  }
0xc2: {  	[sflag:s7] =	ssyncadd.s32 $0xFFFFFF83  }
0xc3: {  	[bflag:$0x0] =	sbarrier.arrive $0xFFFF  }
0xc4: {  	s16 =	rddreg [dreg:$0xa]  }
0xc5: {  	s17 =	rddreg [dreg:$0xb]  }
0xc6: {  	s11 =	rddreg [dreg:$0xe]  }
0xc7: {  	[hbm:s11], [sflag:s16] =	dma.local [spmem:s17], $0x2800  }
0xc8: {  	_ =	swait.ge [sflag:s13], $0x2800  }
0xc9: {  	s15 =	simm.s32 $0x20;
	[sflag:s13] =	ssyncset.done $0x0;
	s19 =	rddreg [dreg:$0xc]  }
0xca: {  	s22 =	simm.s32 $0x10;
	s24 =	rddreg [dreg:$0xf];
	[sflag:s13] =	ssyncadd.s32 $0xFFFFD800  }
0xcb: {  	[hbm:s24@s15], [sflag:s16] =	dma.strided [spmem:s19@s22], $0x50, s21, $0x10   }
0xcc: {  	_ =	swait.ge [sflag:s13], $0x50  }
0xcd: {  	s22 =	rddreg [dreg:$0x10]  }
0xce: {  	s24 =	rddreg [dreg:$0x9];
	s15 =	sadd.s32 $0x1, s22  }
0xcf: {  	p0 =	sne.s32 s15, s24  }
.Ltmp1:
0xd0: {  	_ = 	snop;
	(pc) =	sbr.rel @p0 .LBB2_1-.Ltmp1, $3  }
0xd1: {  	_ =	sdelay $0x1  }
0xd2: {  	[sflag:s13] =	ssyncset.done $0x0  }
0xd3: {  	[sflag:s13] =	ssyncadd.s32 $0xFFFFFFB0  }
0xd4: {  	_ =	sfence.sel $0x180000  }
0xd5: {  	[bflag:$0x0] =	sbarrier.arrive $0xFFFF  }
0xd6: {  	_ =	strace $0x90000047  }
0xd7: {  	s0 =	stileid.u32;
	[bflag:$0x2] =	sbarrier.arrive $0xFFFF  }
0xd8: {  	p0 =	sne.s32 s0, $0x0;
	s0 =	rddreg [dreg:$0x5]  }
0xd9: {  	s0 =	sadd.s32 @!p0 $0x100000, s0  }
0xda: {  	[sflag:s0] =	ssyncadd.tile.s32 @!p0 $0x1;
	_ =	shalt  }
.Lfunc_end2:
_tile_overlayer_lowered:
.L_overlay_start_2:
0xdb: {  	(tag) =	ssettag $0x2  }
0xdc: {  	s0 =	rddreg [dreg:$0x0];
	s2 =	stileid.u32  }
0xdd: {  	s1 =	rddreg [dreg:$0x1];
	p0 =	sne.s32 s2, $0x0  }
0xde: {  	s3 =	rddreg [dreg:$0x2];
	[bflag:$0x3] =	sbarrier.arrive $0xFFFF;
	s2 =	simm.s32 @!p0 $0x1C0B  }
0xdf: {  	[timem:s3], [sflag:s2] =	dma.local @!p0 [hbm:s0], s1  }
0xe0: {  	s0 =	simm.s32 @!p0 $0xB  }
0xe1: {  	_ =	swait.ge @!p0 [sflag:s0], s1  }
0xe2: {  	s1 =	ssub.s32 @!p0 $0x0, s1;
	[sflag:s0] =	ssyncset.done @!p0 $0x0  }
0xe3: {  	[sflag:s0] =	ssyncadd.s32 @!p0 s1  }
0xe4: {  	[bflag:$0x3] =	sbarrier.arrive $0xFFFF  }
0xe5: {  	_ =	shalt  }

</sc_bundles>
